<compile_context>
chip_gen: v7x
topology: tpu7x:2x2x1
jax: 0.10.2.dev20260603
libtpu: 0.0.44.dev20260713+nightly
codegen_flags: <defaults>
</compile_context>

<pallas_src>
import functools
import numpy as np
import jax
import jax.numpy as jnp
from jax import lax
from jax.experimental import pallas as pl
from jax.experimental.pallas import tpu as pltpu
from jax.experimental.pallas import tpu_sc as plsc

_DIM = 16
_K = 8
_TB = 3.0
_MIN_BW = 1e-3
_MIN_BH = 1e-3
_MIN_D = 1e-3
_PAD_C = float(np.log(np.exp(1 - _MIN_D) - 1))

_OFF_EW = 0
_OFF_RW = 144
_OFF_H = 272
_OFF_EH = 400
_OFF_D = 528
_TAB = 672

_NW = 32
_CH = 256

_LOGC = (3.5075520532e-06, 0.99979243573, -0.49697791117, 0.31459053537,
         -0.18878267362, 0.081726808373, -0.017208061121)
_LN2 = 0.6931471805599453


def _tab_body(uwT_ref, uhT_ref, udT_ref, tab_ref):
    def edges(uT, min_b):
        m = jnp.max(uT, axis=0, keepdims=True)
        e = jnp.exp(uT - m)
        w = min_b + (1 - min_b * _K) * (e / jnp.sum(e, axis=0, keepdims=True))
        ed = [jnp.full((1, _DIM), -_TB, jnp.float32)]
        acc = jnp.zeros((1, _DIM), jnp.float32)
        for k in range(_K - 1):
            acc = acc + w[k : k + 1, :]
            ed.append(2 * _TB * acc - _TB)
        ed.append(jnp.full((1, _DIM), _TB, jnp.float32))
        return ed

    ew = edges(uwT_ref[...], _MIN_BW)
    eh = edges(uhT_ref[...], _MIN_BH)
    ud = udT_ref[...]
    pad = jnp.full((1, _DIM), _PAD_C, jnp.float32)
    ud_rows = [pad] + [ud[k : k + 1, :] for k in range(_K - 1)] + [pad]
    dv = [_MIN_D + jnp.log1p(jnp.exp(u)) for u in ud_rows]

    def put(off, row):
        tab_ref[pl.ds(off, _DIM)] = row.reshape(_DIM)

    for k in range(_K + 1):
        put(_OFF_EW + 16 * k, ew[k])
        put(_OFF_D + 16 * k, dv[k])
    for k in range(_K):
        put(_OFF_RW + 16 * k, 1.0 / (ew[k + 1] - ew[k]))
        put(_OFF_H + 16 * k, eh[k + 1] - eh[k])
        put(_OFF_EH + 16 * k, eh[k])


def _log16(r):
    bits = lax.bitcast_convert_type(r, jnp.int32)
    e = ((bits >> 23) & 0xFF) - 127
    m = lax.bitcast_convert_type(
        (bits & 0x007FFFFF) | 0x3F800000, jnp.float32)
    t = m - 1.0
    p = jnp.full((16,), _LOGC[6], jnp.float32)
    for c in (_LOGC[5], _LOGC[4], _LOGC[3], _LOGC[2], _LOGC[1], _LOGC[0]):
        p = p * t + c
    return e.astype(jnp.float32) * _LN2 + p


def _sc_body(tab_hbm, x_hbm, out_hbm, lad_hbm, tab, xb, ob, lb, sem):
    cid = lax.axis_index("c")
    sid = lax.axis_index("s")
    wid = sid * 2 + cid
    pltpu.sync_copy(tab_hbm, tab)
    lane = lax.iota(jnp.int32, 16)
    ew = [tab[pl.ds(_OFF_EW + 16 * k, 16)] for k in range(1, _K)]

    rows_w = x_hbm.shape[0] // _NW
    nch = rows_w // _CH
    row_base = wid * rows_w

    def chunk(c, carry):
        base = row_base + c * _CH
        pltpu.async_copy(x_hbm.at[pl.ds(base, _CH)], xb, sem).wait()

        @plsc.parallel_loop(0, _CH, unroll=4)
        def row(i):
            x = xb[i]
            x_in = jnp.minimum(jnp.maximum(x, -_TB), _TB)
            bf = jnp.zeros((16,), jnp.float32)
            for e in ew:
                bf = bf + jnp.where(x_in >= e, 1.0, 0.0)
            idx = bf.astype(jnp.int32) * 16 + lane
            g_cumw = plsc.load_gather(tab, [idx + _OFF_EW])
            g_rw = plsc.load_gather(tab, [idx + _OFF_RW])
            g_h = plsc.load_gather(tab, [idx + _OFF_H])
            g_cumh = plsc.load_gather(tab, [idx + _OFF_EH])
            g_d = plsc.load_gather(tab, [idx + _OFF_D])
            g_d1 = plsc.load_gather(tab, [idx + _OFF_D + 16])

            g_delta = g_h * g_rw
            theta = (x_in - g_cumw) * g_rw
            omt = 1.0 - theta
            tomt = theta * omt
            th2 = theta * theta
            num = g_h * (g_delta * th2 + g_d * tomt)
            den = g_delta + (g_d + g_d1 - 2.0 * g_delta) * tomt
            rden = 1.0 / den
            out_in = g_cumh + num * rden
            dnum = (g_delta * g_delta) * (
                g_d1 * th2 + 2.0 * g_delta * tomt + g_d * (omt * omt))
            lad_in = _log16(dnum * rden * rden)

            inside = (x >= -_TB) & (x <= _TB)
            ob[i] = jnp.where(inside, out_in, x)
            lb[i] = jnp.where(inside, lad_in, 0.0)

        pltpu.async_copy(ob, out_hbm.at[pl.ds(base, _CH)], sem).wait()
        pltpu.async_copy(lb, lad_hbm.at[pl.ds(base, _CH)], sem).wait()
        return carry

    lax.fori_loop(0, nch, chunk, 0)


def kernel(x, unnormalized_widths, unnormalized_heights, unnormalized_derivatives):
    n, d = x.shape
    tab = pl.pallas_call(
        _tab_body,
        out_shape=jax.ShapeDtypeStruct((_TAB,), jnp.float32),
    )(unnormalized_widths.T, unnormalized_heights.T,
      unnormalized_derivatives.T)

    mesh = plsc.VectorSubcoreMesh(core_axis_name="c", subcore_axis_name="s")
    sck = pl.kernel(
        _sc_body,
        mesh=mesh,
        out_type=[
            jax.ShapeDtypeStruct((n, d), jnp.float32),
            jax.ShapeDtypeStruct((n, d), jnp.float32),
        ],
        scratch_types=[
            pltpu.VMEM((_TAB,), jnp.float32),
            pltpu.VMEM((_CH, _DIM), jnp.float32),
            pltpu.VMEM((_CH, _DIM), jnp.float32),
            pltpu.VMEM((_CH, _DIM), jnp.float32),
            pltpu.SemaphoreType.DMA,
        ],
        compiler_params=pltpu.CompilerParams(needs_layout_passes=False),
    )
    out, lad = sck(tab, x)
    return out, lad

# --- scband reference (transcript-rebuilt; emitter-appended) ---
"""Pipeline reference for scband-nsf-prior-80633716015312 (READ-ONLY COPY).

The authoritative reference and input builder live on the scoring server;
editing this copy changes nothing except your own understanding.
"""

import jax, jax.numpy as jnp
import numpy as np

DIM = 16
NUM_BINS = 8
TAIL = 3.0
MIN_BW = 1e-3
MIN_BH = 1e-3
MIN_D = 1e-3


def setup_inputs(seed: int = 0) -> dict:
    key = jax.random.key(seed)
    k1, k2, k3, k4 = jax.random.split(key, 4)
    x = jax.random.normal(k1, (262144, DIM), dtype=jnp.float32)
    uw = jax.random.normal(k2, (DIM, NUM_BINS), dtype=jnp.float32) * 0.1
    uh = jax.random.normal(k3, (DIM, NUM_BINS), dtype=jnp.float32) * 0.1
    ud = jax.random.normal(k4, (DIM, NUM_BINS - 1), dtype=jnp.float32) * 0.1
    return {"x": x, "unnormalized_widths": uw, "unnormalized_heights": uh, "unnormalized_derivatives": ud}


def _spline(x, uw, uh, ud):
    K = uw.shape[-1]
    B = TAIL
    # linear tails: pad derivatives with constant so boundary slope is 1
    constant = float(np.log(np.exp(1 - MIN_D) - 1))
    pad = jnp.full(ud.shape[:-1] + (1,), constant, dtype=ud.dtype)
    ud_p = jnp.concatenate([pad, ud, pad], axis=-1)  # [D, K+1]

    widths = jax.nn.softmax(uw, axis=-1)
    widths = MIN_BW + (1 - MIN_BW * K) * widths
    cumw = jnp.cumsum(widths, axis=-1)
    cumw = jnp.concatenate([jnp.zeros(cumw.shape[:-1] + (1,), cumw.dtype), cumw], axis=-1)
    cumw = (B - (-B)) * cumw + (-B)
    cumw = cumw.at[..., 0].set(-B).at[..., -1].set(B)
    widths = cumw[..., 1:] - cumw[..., :-1]

    derivatives = MIN_D + jax.nn.softplus(ud_p)

    heights = jax.nn.softmax(uh, axis=-1)
    heights = MIN_BH + (1 - MIN_BH * K) * heights
    cumh = jnp.cumsum(heights, axis=-1)
    cumh = jnp.concatenate([jnp.zeros(cumh.shape[:-1] + (1,), cumh.dtype), cumh], axis=-1)
    cumh = (B - (-B)) * cumh + (-B)
    cumh = cumh.at[..., 0].set(-B).at[..., -1].set(B)
    heights = cumh[..., 1:] - cumh[..., :-1]

    inside = (x >= -B) & (x <= B)
    x_in = jnp.clip(x, -B, B)

    # searchsorted: sum(inputs >= bin_edges) - 1, with eps on last edge
    cw = cumw.at[..., -1].add(1e-6)
    bin_idx = jnp.sum((x_in[..., None] >= cw[None, ...]).astype(jnp.int32), axis=-1) - 1
    bin_idx = jnp.clip(bin_idx, 0, K - 1)  # [N, D]

    didx = jnp.arange(x.shape[-1])[None, :]  # [1, D]
    input_cumw = cumw[didx, bin_idx]
    input_bw = widths[didx, bin_idx]
    input_cumh = cumh[didx, bin_idx]
    delta = heights / widths
    input_delta = delta[didx, bin_idx]
    input_d = derivatives[didx, bin_idx]
    input_dp1 = derivatives[..., 1:][didx, bin_idx]
    input_h = heights[didx, bin_idx]

    theta = (x_in - input_cumw) / input_bw
    tomt = theta * (1 - theta)
    numerator = input_h * (input_delta * theta ** 2 + input_d * tomt)
    denominator = input_delta + (input_d + input_dp1 - 2 * input_delta) * tomt
    outputs_in = input_cumh + numerator / denominator
    deriv_num = input_delta ** 2 * (input_dp1 * theta ** 2 + 2 * input_delta * tomt + input_d * (1 - theta) ** 2)
    logabsdet_in = jnp.log(deriv_num) - 2 * jnp.log(denominator)

    outputs = jnp.where(inside, outputs_in, x)
    logabsdet = jnp.where(inside, logabsdet_in, jnp.zeros_like(x))
    return outputs, logabsdet


def reference(x, unnormalized_widths, unnormalized_heights, unnormalized_derivatives):
    return _spline(x, unnormalized_widths, unnormalized_heights, unnormalized_derivatives)

if __name__ == "__main__":
    import jax
    _d = setup_inputs()
    print(jax.jit(kernel)(*tuple(_d.values())))

</pallas_src>

<mosaic_0001>
#map = affine_map<(d0, d1) -> (0)>
#map1 = affine_map<(d0, d1) -> (0, 0)>
module attributes {stable_mosaic.version = 14 : i64} {
  func.func @_sc_body(%arg0: i32, %arg1: i32, %arg2: memref<672xf32, #tpu.memory_space<hbm>>, %arg3: memref<262144x16xf32, #tpu.memory_space<hbm>>, %arg4: memref<262144x16xf32, #tpu.memory_space<hbm>>, %arg5: memref<262144x16xf32, #tpu.memory_space<hbm>>, %arg6: memref<672xf32, #tpu.memory_space<vmem>>, %arg7: memref<256x16xf32, #tpu.memory_space<vmem>>, %arg8: memref<256x16xf32, #tpu.memory_space<vmem>>, %arg9: memref<256x16xf32, #tpu.memory_space<vmem>>, %arg10: memref<!tpu.dma_semaphore, #tpu.memory_space<semaphore_mem>>) attributes {dimension_semantics = [#tpu.dimension_semantics<core_parallel>, #tpu.dimension_semantics<subcore_parallel>], iteration_bounds = array<i64: 2, 16>, scalar_prefetch = 0 : i64, scratch_operands = 5 : i64, tpu.core_type = #tpu.core_type<sc_vector_subcore>, window_params = [{transform_indices = #map}, {transform_indices = #map1}, {transform_indices = #map1}, {transform_indices = #map1}]} {
    %mul3A = arith.constant 2 : i32
    %mul3A_0 = arith.muli %arg1, %mul3A : i32
    %add3A = arith.addi %mul3A_0, %arg0 : i32
    "tpu.region"() ({
      %run_scoped3A = tpu.sem_alloc : memref<!tpu.dma_semaphore, #tpu.memory_space<semaphore_mem>>
      tpu.enqueue_dma source(%arg2 : memref<672xf32, #tpu.memory_space<hbm>>) target(%arg6 : memref<672xf32, #tpu.memory_space<vmem>>) target_semaphore(%run_scoped3A : memref<!tpu.dma_semaphore, #tpu.memory_space<semaphore_mem>>)
      tpu.wait_dma2 semaphore(%run_scoped3A : memref<!tpu.dma_semaphore, #tpu.memory_space<semaphore_mem>>) src(%arg2 : memref<672xf32, #tpu.memory_space<hbm>>) dst(%arg6 : memref<672xf32, #tpu.memory_space<vmem>>)
      tpu.yield
    }) : () -> ()
    %iota3A = tpu.iota {dimensions = array<i32: 0>} : vector<16xi32>
    %get3A = arith.constant 16 : index
    %get3A_1 = tpu.vector_load %arg6[%get3A] {strides = array<i32>} : memref<672xf32, #tpu.memory_space<vmem>>, vector<16xf32>,
    %get3A_2 = arith.constant 32 : index
    %get3A_3 = tpu.vector_load %arg6[%get3A_2] {strides = array<i32>} : memref<672xf32, #tpu.memory_space<vmem>>, vector<16xf32>,
    %get3A_4 = arith.constant 48 : index
    %get3A_5 = tpu.vector_load %arg6[%get3A_4] {strides = array<i32>} : memref<672xf32, #tpu.memory_space<vmem>>, vector<16xf32>,
    %get3A_6 = arith.constant 64 : index
    %get3A_7 = tpu.vector_load %arg6[%get3A_6] {strides = array<i32>} : memref<672xf32, #tpu.memory_space<vmem>>, vector<16xf32>,
    %get3A_8 = arith.constant 80 : index
    %get3A_9 = tpu.vector_load %arg6[%get3A_8] {strides = array<i32>} : memref<672xf32, #tpu.memory_space<vmem>>, vector<16xf32>,
    %get3A_10 = arith.constant 96 : index
    %get3A_11 = tpu.vector_load %arg6[%get3A_10] {strides = array<i32>} : memref<672xf32, #tpu.memory_space<vmem>>, vector<16xf32>,
    %get3A_12 = arith.constant 112 : index
    %get3A_13 = tpu.vector_load %arg6[%get3A_12] {strides = array<i32>} : memref<672xf32, #tpu.memory_space<vmem>>, vector<16xf32>,
    %mul3A_14 = arith.constant 8192 : i32
    %mul3A_15 = arith.muli %add3A, %mul3A_14 : i32
    %scan3A = arith.constant 0 : i32
    %scan3A_16 = arith.constant 0 : i32
    %scan3A_17 = arith.constant 32 : i32
    %scan3A_18 = arith.addi %scan3A_16, %scan3A_17 : i32
    %scan3A_19 = arith.constant 1 : i32
    scf.for %scan3A_21 = %scan3A_16 to %scan3A_18 step %scan3A_19  : i32 {
      %mul3A_22 = arith.constant 256 : i32
      %mul3A_23 = arith.muli %scan3A_21, %mul3A_22 : i32
      %add3A_24 = arith.addi %mul3A_15, %mul3A_23 : i32
      %dma_start3A = arith.constant 0 : i32
      %dma_start3A_25 = tpu.memref_slice %arg3[%add3A_24, %dma_start3A] : memref<262144x16xf32, #tpu.memory_space<hbm>> -> memref<256x16xf32, #tpu.memory_space<hbm>>
      %dma_start3A_26 = arith.constant 0 : i32
      %dma_start3A_27 = tpu.memref_slice %arg3[%add3A_24, %dma_start3A_26] : memref<262144x16xf32, #tpu.memory_space<hbm>> -> memref<256x16xf32, #tpu.memory_space<hbm>>
      tpu.enqueue_dma source(%dma_start3A_27 : memref<256x16xf32, #tpu.memory_space<hbm>>) target(%arg7 : memref<256x16xf32, #tpu.memory_space<vmem>>) target_semaphore(%arg10 : memref<!tpu.dma_semaphore, #tpu.memory_space<semaphore_mem>>)
      %dma_wait3A = arith.constant 0 : i32
      %dma_wait3A_28 = tpu.memref_slice %arg3[%add3A_24, %dma_wait3A] : memref<262144x16xf32, #tpu.memory_space<hbm>> -> memref<256x16xf32, #tpu.memory_space<hbm>>
      %dma_wait3A_29 = arith.constant 0 : i32
      %dma_wait3A_30 = tpu.memref_slice %arg3[%add3A_24, %dma_wait3A_29] : memref<262144x16xf32, #tpu.memory_space<hbm>> -> memref<256x16xf32, #tpu.memory_space<hbm>>
      tpu.wait_dma2 semaphore(%arg10 : memref<!tpu.dma_semaphore, #tpu.memory_space<semaphore_mem>>) src(%dma_wait3A_30 : memref<256x16xf32, #tpu.memory_space<hbm>>) dst(%arg7 : memref<256x16xf32, #tpu.memory_space<vmem>>)
      %parallel_loop3A = arith.constant 0 : i32
      %parallel_loop3A_31 = arith.constant 256 : i32
      %parallel_loop3A_32 = arith.constant 1 : i32
      scf.for %parallel_loop3A_49 = %parallel_loop3A to %parallel_loop3A_31 step %parallel_loop3A_32  : i32 {
        %parallel_loop3A_50 = arith.index_cast %parallel_loop3A_49 : i32 to index
        %parallel_loop3A_51 = arith.constant 0 : index
        %parallel_loop3A_52 = tpu.vector_load %arg7[%parallel_loop3A_50, %parallel_loop3A_51] {strides = array<i32>} : memref<256x16xf32, #tpu.memory_space<vmem>>, vector<16xf32>,
        %parallel_loop3A_53 = arith.constant -3.000000e+00 : f32
        %parallel_loop3A_54 = vector.broadcast %parallel_loop3A_53 : f32 to vector<16xf32>
        %parallel_loop3A_55 = arith.maximumf %parallel_loop3A_52, %parallel_loop3A_54 : vector<16xf32>
        %parallel_loop3A_56 = arith.constant 3.000000e+00 : f32
        %parallel_loop3A_57 = vector.broadcast %parallel_loop3A_56 : f32 to vector<16xf32>
        %parallel_loop3A_58 = arith.minimumf %parallel_loop3A_55, %parallel_loop3A_57 : vector<16xf32>
        %parallel_loop3A_59 = arith.constant 0.000000e+00 : f32
        %parallel_loop3A_60 = vector.broadcast %parallel_loop3A_59 : f32 to vector<16xf32>
        %parallel_loop3A_61 = arith.cmpf oge, %parallel_loop3A_58, %get3A_1 : vector<16xf32>
        %parallel_loop3A_62 = arith.constant 1.000000e+00 : f32
        %parallel_loop3A_63 = arith.constant 0.000000e+00 : f32
        %parallel_loop3A_64 = vector.broadcast %parallel_loop3A_62 : f32 to vector<16xf32>
        %parallel_loop3A_65 = vector.broadcast %parallel_loop3A_63 : f32 to vector<16xf32>
        %parallel_loop3A_66 = arith.select %parallel_loop3A_61, %parallel_loop3A_64, %parallel_loop3A_65 : vector<16xi1>, vector<16xf32>
        %parallel_loop3A_67 = arith.addf %parallel_loop3A_60, %parallel_loop3A_66 : vector<16xf32>
        %parallel_loop3A_68 = arith.cmpf oge, %parallel_loop3A_58, %get3A_3 : vector<16xf32>
        %parallel_loop3A_69 = arith.constant 1.000000e+00 : f32
        %parallel_loop3A_70 = arith.constant 0.000000e+00 : f32
        %parallel_loop3A_71 = vector.broadcast %parallel_loop3A_69 : f32 to vector<16xf32>
        %parallel_loop3A_72 = vector.broadcast %parallel_loop3A_70 : f32 to vector<16xf32>
        %parallel_loop3A_73 = arith.select %parallel_loop3A_68, %parallel_loop3A_71, %parallel_loop3A_72 : vector<16xi1>, vector<16xf32>
        %parallel_loop3A_74 = arith.addf %parallel_loop3A_67, %parallel_loop3A_73 : vector<16xf32>
        %parallel_loop3A_75 = arith.cmpf oge, %parallel_loop3A_58, %get3A_5 : vector<16xf32>
        %parallel_loop3A_76 = arith.constant 1.000000e+00 : f32
        %parallel_loop3A_77 = arith.constant 0.000000e+00 : f32
        %parallel_loop3A_78 = vector.broadcast %parallel_loop3A_76 : f32 to vector<16xf32>
        %parallel_loop3A_79 = vector.broadcast %parallel_loop3A_77 : f32 to vector<16xf32>
        %parallel_loop3A_80 = arith.select %parallel_loop3A_75, %parallel_loop3A_78, %parallel_loop3A_79 : vector<16xi1>, vector<16xf32>
        %parallel_loop3A_81 = arith.addf %parallel_loop3A_74, %parallel_loop3A_80 : vector<16xf32>
        %parallel_loop3A_82 = arith.cmpf oge, %parallel_loop3A_58, %get3A_7 : vector<16xf32>
        %parallel_loop3A_83 = arith.constant 1.000000e+00 : f32
        %parallel_loop3A_84 = arith.constant 0.000000e+00 : f32
        %parallel_loop3A_85 = vector.broadcast %parallel_loop3A_83 : f32 to vector<16xf32>
        %parallel_loop3A_86 = vector.broadcast %parallel_loop3A_84 : f32 to vector<16xf32>
        %parallel_loop3A_87 = arith.select %parallel_loop3A_82, %parallel_loop3A_85, %parallel_loop3A_86 : vector<16xi1>, vector<16xf32>
        %parallel_loop3A_88 = arith.addf %parallel_loop3A_81, %parallel_loop3A_87 : vector<16xf32>
        %parallel_loop3A_89 = arith.cmpf oge, %parallel_loop3A_58, %get3A_9 : vector<16xf32>
        %parallel_loop3A_90 = arith.constant 1.000000e+00 : f32
        %parallel_loop3A_91 = arith.constant 0.000000e+00 : f32
        %parallel_loop3A_92 = vector.broadcast %parallel_loop3A_90 : f32 to vector<16xf32>
        %parallel_loop3A_93 = vector.broadcast %parallel_loop3A_91 : f32 to vector<16xf32>
        %parallel_loop3A_94 = arith.select %parallel_loop3A_89, %parallel_loop3A_92, %parallel_loop3A_93 : vector<16xi1>, vector<16xf32>
        %parallel_loop3A_95 = arith.addf %parallel_loop3A_88, %parallel_loop3A_94 : vector<16xf32>
        %parallel_loop3A_96 = arith.cmpf oge, %parallel_loop3A_58, %get3A_11 : vector<16xf32>
        %parallel_loop3A_97 = arith.constant 1.000000e+00 : f32
        %parallel_loop3A_98 = arith.constant 0.000000e+00 : f32
        %parallel_loop3A_99 = vector.broadcast %parallel_loop3A_97 : f32 to vector<16xf32>
        %parallel_loop3A_100 = vector.broadcast %parallel_loop3A_98 : f32 to vector<16xf32>
        %parallel_loop3A_101 = arith.select %parallel_loop3A_96, %parallel_loop3A_99, %parallel_loop3A_100 : vector<16xi1>, vector<16xf32>
        %parallel_loop3A_102 = arith.addf %parallel_loop3A_95, %parallel_loop3A_101 : vector<16xf32>
        %parallel_loop3A_103 = arith.cmpf oge, %parallel_loop3A_58, %get3A_13 : vector<16xf32>
        %parallel_loop3A_104 = arith.constant 1.000000e+00 : f32
        %parallel_loop3A_105 = arith.constant 0.000000e+00 : f32
        %parallel_loop3A_106 = vector.broadcast %parallel_loop3A_104 : f32 to vector<16xf32>
        %parallel_loop3A_107 = vector.broadcast %parallel_loop3A_105 : f32 to vector<16xf32>
        %parallel_loop3A_108 = arith.select %parallel_loop3A_103, %parallel_loop3A_106, %parallel_loop3A_107 : vector<16xi1>, vector<16xf32>
        %parallel_loop3A_109 = arith.addf %parallel_loop3A_102, %parallel_loop3A_108 : vector<16xf32>
        %parallel_loop3A_110 = arith.fptosi %parallel_loop3A_109 : vector<16xf32> to vector<16xi32>
        %parallel_loop3A_111 = arith.constant 16 : i32
        %parallel_loop3A_112 = vector.broadcast %parallel_loop3A_111 : i32 to vector<16xi32>
        %parallel_loop3A_113 = arith.muli %parallel_loop3A_110, %parallel_loop3A_112 : vector<16xi32>
        %parallel_loop3A_114 = arith.addi %parallel_loop3A_113, %iota3A : vector<16xi32>
        %parallel_loop3A_115 = arith.constant 0 : i32
        %parallel_loop3A_116 = vector.broadcast %parallel_loop3A_115 : i32 to vector<16xi32>
        %parallel_loop3A_117 = arith.addi %parallel_loop3A_114, %parallel_loop3A_116 : vector<16xi32>
        %parallel_loop3A_118 = tpu.vector_load_idx %arg6[%parallel_loop3A_117] : memref<672xf32, #tpu.memory_space<vmem>>[vector<16xi32>], vector<16xf32>,
        %parallel_loop3A_119 = arith.constant 144 : i32
        %parallel_loop3A_120 = vector.broadcast %parallel_loop3A_119 : i32 to vector<16xi32>
        %parallel_loop3A_121 = arith.addi %parallel_loop3A_114, %parallel_loop3A_120 : vector<16xi32>
        %parallel_loop3A_122 = tpu.vector_load_idx %arg6[%parallel_loop3A_121] : memref<672xf32, #tpu.memory_space<vmem>>[vector<16xi32>], vector<16xf32>,
        %parallel_loop3A_123 = arith.constant 272 : i32
        %parallel_loop3A_124 = vector.broadcast %parallel_loop3A_123 : i32 to vector<16xi32>
        %parallel_loop3A_125 = arith.addi %parallel_loop3A_114, %parallel_loop3A_124 : vector<16xi32>
        %parallel_loop3A_126 = tpu.vector_load_idx %arg6[%parallel_loop3A_125] : memref<672xf32, #tpu.memory_space<vmem>>[vector<16xi32>], vector<16xf32>,
        %parallel_loop3A_127 = arith.constant 400 : i32
        %parallel_loop3A_128 = vector.broadcast %parallel_loop3A_127 : i32 to vector<16xi32>
        %parallel_loop3A_129 = arith.addi %parallel_loop3A_114, %parallel_loop3A_128 : vector<16xi32>
        %parallel_loop3A_130 = tpu.vector_load_idx %arg6[%parallel_loop3A_129] : memref<672xf32, #tpu.memory_space<vmem>>[vector<16xi32>], vector<16xf32>,
        %parallel_loop3A_131 = arith.constant 528 : i32
        %parallel_loop3A_132 = vector.broadcast %parallel_loop3A_131 : i32 to vector<16xi32>
        %parallel_loop3A_133 = arith.addi %parallel_loop3A_114, %parallel_loop3A_132 : vector<16xi32>
        %parallel_loop3A_134 = tpu.vector_load_idx %arg6[%parallel_loop3A_133] : memref<672xf32, #tpu.memory_space<vmem>>[vector<16xi32>], vector<16xf32>,
        %parallel_loop3A_135 = arith.constant 528 : i32
        %parallel_loop3A_136 = vector.broadcast %parallel_loop3A_135 : i32 to vector<16xi32>
        %parallel_loop3A_137 = arith.addi %parallel_loop3A_114, %parallel_loop3A_136 : vector<16xi32>
        %parallel_loop3A_138 = arith.constant 16 : i32
        %parallel_loop3A_139 = vector.broadcast %parallel_loop3A_138 : i32 to vector<16xi32>
        %parallel_loop3A_140 = arith.addi %parallel_loop3A_137, %parallel_loop3A_139 : vector<16xi32>
        %parallel_loop3A_141 = tpu.vector_load_idx %arg6[%parallel_loop3A_140] : memref<672xf32, #tpu.memory_space<vmem>>[vector<16xi32>], vector<16xf32>,
        %parallel_loop3A_142 = arith.mulf %parallel_loop3A_126, %parallel_loop3A_122 : vector<16xf32>
        %parallel_loop3A_143 = arith.subf %parallel_loop3A_58, %parallel_loop3A_118 : vector<16xf32>
        %parallel_loop3A_144 = arith.mulf %parallel_loop3A_143, %parallel_loop3A_122 : vector<16xf32>
        %parallel_loop3A_145 = arith.constant 1.000000e+00 : f32
        %parallel_loop3A_146 = vector.broadcast %parallel_loop3A_145 : f32 to vector<16xf32>
        %parallel_loop3A_147 = arith.subf %parallel_loop3A_146, %parallel_loop3A_144 : vector<16xf32>
        %parallel_loop3A_148 = arith.mulf %parallel_loop3A_144, %parallel_loop3A_147 : vector<16xf32>
        %parallel_loop3A_149 = arith.mulf %parallel_loop3A_144, %parallel_loop3A_144 : vector<16xf32>
        %parallel_loop3A_150 = arith.mulf %parallel_loop3A_142, %parallel_loop3A_149 : vector<16xf32>
        %parallel_loop3A_151 = arith.mulf %parallel_loop3A_134, %parallel_loop3A_148 : vector<16xf32>
        %parallel_loop3A_152 = arith.addf %parallel_loop3A_150, %parallel_loop3A_151 : vector<16xf32>
        %parallel_loop3A_153 = arith.mulf %parallel_loop3A_126, %parallel_loop3A_152 : vector<16xf32>
        %parallel_loop3A_154 = arith.addf %parallel_loop3A_134, %parallel_loop3A_141 : vector<16xf32>
        %parallel_loop3A_155 = arith.constant 2.000000e+00 : f32
        %parallel_loop3A_156 = vector.broadcast %parallel_loop3A_155 : f32 to vector<16xf32>
        %parallel_loop3A_157 = arith.mulf %parallel_loop3A_156, %parallel_loop3A_142 : vector<16xf32>
        %parallel_loop3A_158 = arith.subf %parallel_loop3A_154, %parallel_loop3A_157 : vector<16xf32>
        %parallel_loop3A_159 = arith.mulf %parallel_loop3A_158, %parallel_loop3A_148 : vector<16xf32>
        %parallel_loop3A_160 = arith.addf %parallel_loop3A_142, %parallel_loop3A_159 : vector<16xf32>
        %parallel_loop3A_161 = arith.constant 1.000000e+00 : f32
        %parallel_loop3A_162 = vector.broadcast %parallel_loop3A_161 : f32 to vector<16xf32>
        %parallel_loop3A_163 = arith.divf %parallel_loop3A_162, %parallel_loop3A_160 : vector<16xf32>
        %parallel_loop3A_164 = arith.mulf %parallel_loop3A_153, %parallel_loop3A_163 : vector<16xf32>
        %parallel_loop3A_165 = arith.addf %parallel_loop3A_130, %parallel_loop3A_164 : vector<16xf32>
        %parallel_loop3A_166 = arith.mulf %parallel_loop3A_142, %parallel_loop3A_142 : vector<16xf32>
        %parallel_loop3A_167 = arith.mulf %parallel_loop3A_141, %parallel_loop3A_149 : vector<16xf32>
        %parallel_loop3A_168 = arith.constant 2.000000e+00 : f32
        %parallel_loop3A_169 = vector.broadcast %parallel_loop3A_168 : f32 to vector<16xf32>
        %parallel_loop3A_170 = arith.mulf %parallel_loop3A_169, %parallel_loop3A_142 : vector<16xf32>
        %parallel_loop3A_171 = arith.mulf %parallel_loop3A_170, %parallel_loop3A_148 : vector<16xf32>
        %parallel_loop3A_172 = arith.addf %parallel_loop3A_167, %parallel_loop3A_171 : vector<16xf32>
        %parallel_loop3A_173 = arith.mulf %parallel_loop3A_147, %parallel_loop3A_147 : vector<16xf32>
        %parallel_loop3A_174 = arith.mulf %parallel_loop3A_134, %parallel_loop3A_173 : vector<16xf32>
        %parallel_loop3A_175 = arith.addf %parallel_loop3A_172, %parallel_loop3A_174 : vector<16xf32>
        %parallel_loop3A_176 = arith.mulf %parallel_loop3A_166, %parallel_loop3A_175 : vector<16xf32>
        %parallel_loop3A_177 = arith.mulf %parallel_loop3A_176, %parallel_loop3A_163 : vector<16xf32>
        %parallel_loop3A_178 = arith.mulf %parallel_loop3A_177, %parallel_loop3A_163 : vector<16xf32>
        %parallel_loop3A_179 = tpu.bitcast %parallel_loop3A_178 : vector<16xf32> -> vector<16xi32>
        %parallel_loop3A_180 = arith.constant 23 : i32
        %parallel_loop3A_181 = vector.broadcast %parallel_loop3A_180 : i32 to vector<16xi32>
        %parallel_loop3A_182 = arith.shrsi %parallel_loop3A_179, %parallel_loop3A_181 : vector<16xi32>
        %parallel_loop3A_183 = arith.constant 255 : i32
        %parallel_loop3A_184 = vector.broadcast %parallel_loop3A_183 : i32 to vector<16xi32>
        %parallel_loop3A_185 = arith.andi %parallel_loop3A_182, %parallel_loop3A_184 : vector<16xi32>
        %parallel_loop3A_186 = arith.constant 127 : i32
        %parallel_loop3A_187 = vector.broadcast %parallel_loop3A_186 : i32 to vector<16xi32>
        %parallel_loop3A_188 = arith.subi %parallel_loop3A_185, %parallel_loop3A_187 : vector<16xi32>
        %parallel_loop3A_189 = arith.constant 8388607 : i32
        %parallel_loop3A_190 = vector.broadcast %parallel_loop3A_189 : i32 to vector<16xi32>
        %parallel_loop3A_191 = arith.andi %parallel_loop3A_179, %parallel_loop3A_190 : vector<16xi32>
        %parallel_loop3A_192 = arith.constant 1065353216 : i32
        %parallel_loop3A_193 = vector.broadcast %parallel_loop3A_192 : i32 to vector<16xi32>
        %parallel_loop3A_194 = arith.ori %parallel_loop3A_191, %parallel_loop3A_193 : vector<16xi32>
        %parallel_loop3A_195 = tpu.bitcast %parallel_loop3A_194 : vector<16xi32> -> vector<16xf32>
        %parallel_loop3A_196 = arith.constant 1.000000e+00 : f32
        %parallel_loop3A_197 = vector.broadcast %parallel_loop3A_196 : f32 to vector<16xf32>
        %parallel_loop3A_198 = arith.subf %parallel_loop3A_195, %parallel_loop3A_197 : vector<16xf32>
        %parallel_loop3A_199 = arith.constant -0.0172080602 : f32
        %parallel_loop3A_200 = vector.broadcast %parallel_loop3A_199 : f32 to vector<16xf32>
        %parallel_loop3A_201 = arith.mulf %parallel_loop3A_200, %parallel_loop3A_198 : vector<16xf32>
        %parallel_loop3A_202 = arith.constant 0.0817268118 : f32
        %parallel_loop3A_203 = vector.broadcast %parallel_loop3A_202 : f32 to vector<16xf32>
        %parallel_loop3A_204 = arith.addf %parallel_loop3A_201, %parallel_loop3A_203 : vector<16xf32>
        %parallel_loop3A_205 = arith.mulf %parallel_loop3A_204, %parallel_loop3A_198 : vector<16xf32>
        %parallel_loop3A_206 = arith.constant -0.188782677 : f32
        %parallel_loop3A_207 = vector.broadcast %parallel_loop3A_206 : f32 to vector<16xf32>
        %parallel_loop3A_208 = arith.addf %parallel_loop3A_205, %parallel_loop3A_207 : vector<16xf32>
        %parallel_loop3A_209 = arith.mulf %parallel_loop3A_208, %parallel_loop3A_198 : vector<16xf32>
        %parallel_loop3A_210 = arith.constant 0.314590544 : f32
        %parallel_loop3A_211 = vector.broadcast %parallel_loop3A_210 : f32 to vector<16xf32>
        %parallel_loop3A_212 = arith.addf %parallel_loop3A_209, %parallel_loop3A_211 : vector<16xf32>
        %parallel_loop3A_213 = arith.mulf %parallel_loop3A_212, %parallel_loop3A_198 : vector<16xf32>
        %parallel_loop3A_214 = arith.constant -0.496977925 : f32
        %parallel_loop3A_215 = vector.broadcast %parallel_loop3A_214 : f32 to vector<16xf32>
        %parallel_loop3A_216 = arith.addf %parallel_loop3A_213, %parallel_loop3A_215 : vector<16xf32>
        %parallel_loop3A_217 = arith.mulf %parallel_loop3A_216, %parallel_loop3A_198 : vector<16xf32>
        %parallel_loop3A_218 = arith.constant 0.999792456 : f32
        %parallel_loop3A_219 = vector.broadcast %parallel_loop3A_218 : f32 to vector<16xf32>
        %parallel_loop3A_220 = arith.addf %parallel_loop3A_217, %parallel_loop3A_219 : vector<16xf32>
        %parallel_loop3A_221 = arith.mulf %parallel_loop3A_220, %parallel_loop3A_198 : vector<16xf32>
        %parallel_loop3A_222 = arith.constant 3.50755204E-6 : f32
        %parallel_loop3A_223 = vector.broadcast %parallel_loop3A_222 : f32 to vector<16xf32>
        %parallel_loop3A_224 = arith.addf %parallel_loop3A_221, %parallel_loop3A_223 : vector<16xf32>
        %parallel_loop3A_225 = arith.sitofp %parallel_loop3A_188 : vector<16xi32> to vector<16xf32>
        %parallel_loop3A_226 = arith.constant 0.693147182 : f32
        %parallel_loop3A_227 = vector.broadcast %parallel_loop3A_226 : f32 to vector<16xf32>
        %parallel_loop3A_228 = arith.mulf %parallel_loop3A_225, %parallel_loop3A_227 : vector<16xf32>
        %parallel_loop3A_229 = arith.addf %parallel_loop3A_228, %parallel_loop3A_224 : vector<16xf32>
        %parallel_loop3A_230 = arith.constant -3.000000e+00 : f32
        %parallel_loop3A_231 = vector.broadcast %parallel_loop3A_230 : f32 to vector<16xf32>
        %parallel_loop3A_232 = arith.cmpf oge, %parallel_loop3A_52, %parallel_loop3A_231 : vector<16xf32>
        %parallel_loop3A_233 = arith.constant 3.000000e+00 : f32
        %parallel_loop3A_234 = vector.broadcast %parallel_loop3A_233 : f32 to vector<16xf32>
        %parallel_loop3A_235 = arith.cmpf ole, %parallel_loop3A_52, %parallel_loop3A_234 : vector<16xf32>
        %parallel_loop3A_236 = arith.andi %parallel_loop3A_232, %parallel_loop3A_235 : vector<16xi1>
        %parallel_loop3A_237 = arith.select %parallel_loop3A_236, %parallel_loop3A_165, %parallel_loop3A_52 : vector<16xi1>, vector<16xf32>
        %parallel_loop3A_238 = arith.index_cast %parallel_loop3A_49 : i32 to index
        %parallel_loop3A_239 = arith.constant 0 : index
        %parallel_loop3A_240 = tpu.vector_load %arg8[%parallel_loop3A_238, %parallel_loop3A_239] {strides = array<i32>} : memref<256x16xf32, #tpu.memory_space<vmem>>, vector<16xf32>,
        tpu.vector_store %arg8[%parallel_loop3A_238, %parallel_loop3A_239], %parallel_loop3A_237 {strides = array<i32>} : memref<256x16xf32, #tpu.memory_space<vmem>>, vector<16xf32>,
        %parallel_loop3A_241 = arith.constant 0.000000e+00 : f32
        %parallel_loop3A_242 = vector.broadcast %parallel_loop3A_241 : f32 to vector<16xf32>
        %parallel_loop3A_243 = arith.select %parallel_loop3A_236, %parallel_loop3A_229, %parallel_loop3A_242 : vector<16xi1>, vector<16xf32>
        %parallel_loop3A_244 = arith.index_cast %parallel_loop3A_49 : i32 to index
        %parallel_loop3A_245 = arith.constant 0 : index
        %parallel_loop3A_246 = tpu.vector_load %arg9[%parallel_loop3A_244, %parallel_loop3A_245] {strides = array<i32>} : memref<256x16xf32, #tpu.memory_space<vmem>>, vector<16xf32>,
        tpu.vector_store %arg9[%parallel_loop3A_244, %parallel_loop3A_245], %parallel_loop3A_243 {strides = array<i32>} : memref<256x16xf32, #tpu.memory_space<vmem>>, vector<16xf32>,
      } {sc.loop_unroll_factor = 4 : i64, sc.parallel_access}
      %dma_start3A_33 = arith.constant 0 : i32
      %dma_start3A_34 = tpu.memref_slice %arg4[%add3A_24, %dma_start3A_33] : memref<262144x16xf32, #tpu.memory_space<hbm>> -> memref<256x16xf32, #tpu.memory_space<hbm>>
      %dma_start3A_35 = arith.constant 0 : i32
      %dma_start3A_36 = tpu.memref_slice %arg4[%add3A_24, %dma_start3A_35] : memref<262144x16xf32, #tpu.memory_space<hbm>> -> memref<256x16xf32, #tpu.memory_space<hbm>>
      tpu.enqueue_dma source(%arg8 : memref<256x16xf32, #tpu.memory_space<vmem>>) target(%dma_start3A_36 : memref<256x16xf32, #tpu.memory_space<hbm>>) target_semaphore(%arg10 : memref<!tpu.dma_semaphore, #tpu.memory_space<semaphore_mem>>)
      %dma_wait3A_37 = arith.constant 0 : i32
      %dma_wait3A_38 = tpu.memref_slice %arg4[%add3A_24, %dma_wait3A_37] : memref<262144x16xf32, #tpu.memory_space<hbm>> -> memref<256x16xf32, #tpu.memory_space<hbm>>
      %dma_wait3A_39 = arith.constant 0 : i32
      %dma_wait3A_40 = tpu.memref_slice %arg4[%add3A_24, %dma_wait3A_39] : memref<262144x16xf32, #tpu.memory_space<hbm>> -> memref<256x16xf32, #tpu.memory_space<hbm>>
      tpu.wait_dma2 semaphore(%arg10 : memref<!tpu.dma_semaphore, #tpu.memory_space<semaphore_mem>>) src(%arg8 : memref<256x16xf32, #tpu.memory_space<vmem>>) dst(%dma_wait3A_40 : memref<256x16xf32, #tpu.memory_space<hbm>>)
      %dma_start3A_41 = arith.constant 0 : i32
      %dma_start3A_42 = tpu.memref_slice %arg5[%add3A_24, %dma_start3A_41] : memref<262144x16xf32, #tpu.memory_space<hbm>> -> memref<256x16xf32, #tpu.memory_space<hbm>>
      %dma_start3A_43 = arith.constant 0 : i32
      %dma_start3A_44 = tpu.memref_slice %arg5[%add3A_24, %dma_start3A_43] : memref<262144x16xf32, #tpu.memory_space<hbm>> -> memref<256x16xf32, #tpu.memory_space<hbm>>
      tpu.enqueue_dma source(%arg9 : memref<256x16xf32, #tpu.memory_space<vmem>>) target(%dma_start3A_44 : memref<256x16xf32, #tpu.memory_space<hbm>>) target_semaphore(%arg10 : memref<!tpu.dma_semaphore, #tpu.memory_space<semaphore_mem>>)
      %dma_wait3A_45 = arith.constant 0 : i32
      %dma_wait3A_46 = tpu.memref_slice %arg5[%add3A_24, %dma_wait3A_45] : memref<262144x16xf32, #tpu.memory_space<hbm>> -> memref<256x16xf32, #tpu.memory_space<hbm>>
      %dma_wait3A_47 = arith.constant 0 : i32
      %dma_wait3A_48 = tpu.memref_slice %arg5[%add3A_24, %dma_wait3A_47] : memref<262144x16xf32, #tpu.memory_space<hbm>> -> memref<256x16xf32, #tpu.memory_space<hbm>>
      tpu.wait_dma2 semaphore(%arg10 : memref<!tpu.dma_semaphore, #tpu.memory_space<semaphore_mem>>) src(%arg9 : memref<256x16xf32, #tpu.memory_space<vmem>>) dst(%dma_wait3A_48 : memref<256x16xf32, #tpu.memory_space<hbm>>)
    }
    %scan3A_20 = arith.constant 32 : i32
    return
  }
}

module attributes {stable_mosaic.version = 14 : i64} {
  func.func @_tab_body(%arg0: memref<8x16xf32, #tpu.memory_space<vmem>>, %arg1: memref<8x16xf32, #tpu.memory_space<vmem>>, %arg2: memref<7x16xf32, #tpu.memory_space<vmem>>, %arg3: memref<672xf32, #tpu.memory_space<vmem>>) attributes {dimension_semantics = [], scalar_prefetch = 0 : i64, scratch_operands = 0 : i64, tpu.core_type = #tpu.core_type<tc>} {
    %get3A = arith.constant 0 : index
    %get3A_0 = arith.constant 0 : index
    %get3A_1 = vector.load %arg0[%get3A, %get3A_0] : memref<8x16xf32, #tpu.memory_space<vmem>>, vector<8x16xf32>
    %reduce_max3A = arith.constant dense<0xFF800000> : vector<16xf32>
    %reduce_max3A_2 = vector.multi_reduction <maximumf>, %get3A_1, %reduce_max3A [0] : vector<8x16xf32> to vector<16xf32>
    %broadcast_in_dim3A = vector.shape_cast %reduce_max3A_2 : vector<16xf32> to vector<1x16xf32>
    %sub3A = vector.broadcast %broadcast_in_dim3A : vector<1x16xf32> to vector<8x16xf32>
    %sub3A_3 = arith.subf %get3A_1, %sub3A : vector<8x16xf32>
    %exp3A = math.exp %sub3A_3 : vector<8x16xf32>
    %reduce_sum3A = arith.constant dense<0.000000e+00> : vector<16xf32>
    %reduce_sum3A_4 = vector.multi_reduction <add>, %exp3A, %reduce_sum3A [0] : vector<8x16xf32> to vector<16xf32>
    %broadcast_in_dim3A_5 = vector.shape_cast %reduce_sum3A_4 : vector<16xf32> to vector<1x16xf32>
    %div3A = vector.broadcast %broadcast_in_dim3A_5 : vector<1x16xf32> to vector<8x16xf32>
    %div3A_6 = arith.divf %exp3A, %div3A : vector<8x16xf32>
    %mul3A = arith.constant 0.991999983 : f32
    %mul3A_7 = vector.broadcast %mul3A : f32 to vector<8x16xf32>
    %mul3A_8 = arith.mulf %mul3A_7, %div3A_6 : vector<8x16xf32>
    %add3A = arith.constant 1.000000e-03 : f32
    %add3A_9 = vector.broadcast %add3A : f32 to vector<8x16xf32>
    %add3A_10 = arith.addf %add3A_9, %mul3A_8 : vector<8x16xf32>
    %broadcast_in_dim3A_11 = arith.constant -3.000000e+00 : f32
    %broadcast_in_dim3A_12 = vector.broadcast %broadcast_in_dim3A_11 : f32 to vector<1x16xf32>
    %broadcast_in_dim3A_13 = arith.constant 0.000000e+00 : f32
    %broadcast_in_dim3A_14 = vector.broadcast %broadcast_in_dim3A_13 : f32 to vector<1x16xf32>
    %slice3A = vector.extract_strided_slice %add3A_10 {offsets = [0, 0], sizes = [1, 16], strides = [1, 1]} : vector<8x16xf32> to vector<1x16xf32>
    %add3A_15 = arith.addf %broadcast_in_dim3A_14, %slice3A : vector<1x16xf32>
    %mul3A_16 = arith.constant 6.000000e+00 : f32
    %mul3A_17 = vector.broadcast %mul3A_16 : f32 to vector<1x16xf32>
    %mul3A_18 = arith.mulf %mul3A_17, %add3A_15 : vector<1x16xf32>
    %sub3A_19 = arith.constant 3.000000e+00 : f32
    %sub3A_20 = vector.broadcast %sub3A_19 : f32 to vector<1x16xf32>
    %sub3A_21 = arith.subf %mul3A_18, %sub3A_20 : vector<1x16xf32>
    %slice3A_22 = vector.extract_strided_slice %add3A_10 {offsets = [1, 0], sizes = [1, 16], strides = [1, 1]} : vector<8x16xf32> to vector<1x16xf32>
    %add3A_23 = arith.addf %add3A_15, %slice3A_22 : vector<1x16xf32>
    %mul3A_24 = arith.constant 6.000000e+00 : f32
    %mul3A_25 = vector.broadcast %mul3A_24 : f32 to vector<1x16xf32>
    %mul3A_26 = arith.mulf %mul3A_25, %add3A_23 : vector<1x16xf32>
    %sub3A_27 = arith.constant 3.000000e+00 : f32
    %sub3A_28 = vector.broadcast %sub3A_27 : f32 to vector<1x16xf32>
    %sub3A_29 = arith.subf %mul3A_26, %sub3A_28 : vector<1x16xf32>
    %slice3A_30 = vector.extract_strided_slice %add3A_10 {offsets = [2, 0], sizes = [1, 16], strides = [1, 1]} : vector<8x16xf32> to vector<1x16xf32>
    %add3A_31 = arith.addf %add3A_23, %slice3A_30 : vector<1x16xf32>
    %mul3A_32 = arith.constant 6.000000e+00 : f32
    %mul3A_33 = vector.broadcast %mul3A_32 : f32 to vector<1x16xf32>
    %mul3A_34 = arith.mulf %mul3A_33, %add3A_31 : vector<1x16xf32>
    %sub3A_35 = arith.constant 3.000000e+00 : f32
    %sub3A_36 = vector.broadcast %sub3A_35 : f32 to vector<1x16xf32>
    %sub3A_37 = arith.subf %mul3A_34, %sub3A_36 : vector<1x16xf32>
    %slice3A_38 = vector.extract_strided_slice %add3A_10 {offsets = [3, 0], sizes = [1, 16], strides = [1, 1]} : vector<8x16xf32> to vector<1x16xf32>
    %add3A_39 = arith.addf %add3A_31, %slice3A_38 : vector<1x16xf32>
    %mul3A_40 = arith.constant 6.000000e+00 : f32
    %mul3A_41 = vector.broadcast %mul3A_40 : f32 to vector<1x16xf32>
    %mul3A_42 = arith.mulf %mul3A_41, %add3A_39 : vector<1x16xf32>
    %sub3A_43 = arith.constant 3.000000e+00 : f32
    %sub3A_44 = vector.broadcast %sub3A_43 : f32 to vector<1x16xf32>
    %sub3A_45 = arith.subf %mul3A_42, %sub3A_44 : vector<1x16xf32>
    %slice3A_46 = vector.extract_strided_slice %add3A_10 {offsets = [4, 0], sizes = [1, 16], strides = [1, 1]} : vector<8x16xf32> to vector<1x16xf32>
    %add3A_47 = arith.addf %add3A_39, %slice3A_46 : vector<1x16xf32>
    %mul3A_48 = arith.constant 6.000000e+00 : f32
    %mul3A_49 = vector.broadcast %mul3A_48 : f32 to vector<1x16xf32>
    %mul3A_50 = arith.mulf %mul3A_49, %add3A_47 : vector<1x16xf32>
    %sub3A_51 = arith.constant 3.000000e+00 : f32
    %sub3A_52 = vector.broadcast %sub3A_51 : f32 to vector<1x16xf32>
    %sub3A_53 = arith.subf %mul3A_50, %sub3A_52 : vector<1x16xf32>
    %slice3A_54 = vector.extract_strided_slice %add3A_10 {offsets = [5, 0], sizes = [1, 16], strides = [1, 1]} : vector<8x16xf32> to vector<1x16xf32>
    %add3A_55 = arith.addf %add3A_47, %slice3A_54 : vector<1x16xf32>
    %mul3A_56 = arith.constant 6.000000e+00 : f32
    %mul3A_57 = vector.broadcast %mul3A_56 : f32 to vector<1x16xf32>
    %mul3A_58 = arith.mulf %mul3A_57, %add3A_55 : vector<1x16xf32>
    %sub3A_59 = arith.constant 3.000000e+00 : f32
    %sub3A_60 = vector.broadcast %sub3A_59 : f32 to vector<1x16xf32>
    %sub3A_61 = arith.subf %mul3A_58, %sub3A_60 : vector<1x16xf32>
    %slice3A_62 = vector.extract_strided_slice %add3A_10 {offsets = [6, 0], sizes = [1, 16], strides = [1, 1]} : vector<8x16xf32> to vector<1x16xf32>
    %add3A_63 = arith.addf %add3A_55, %slice3A_62 : vector<1x16xf32>
    %mul3A_64 = arith.constant 6.000000e+00 : f32
    %mul3A_65 = vector.broadcast %mul3A_64 : f32 to vector<1x16xf32>
    %mul3A_66 = arith.mulf %mul3A_65, %add3A_63 : vector<1x16xf32>
    %sub3A_67 = arith.constant 3.000000e+00 : f32
    %sub3A_68 = vector.broadcast %sub3A_67 : f32 to vector<1x16xf32>
    %sub3A_69 = arith.subf %mul3A_66, %sub3A_68 : vector<1x16xf32>
    %broadcast_in_dim3A_70 = arith.constant 3.000000e+00 : f32
    %broadcast_in_dim3A_71 = vector.broadcast %broadcast_in_dim3A_70 : f32 to vector<1x16xf32>
    %get3A_72 = arith.constant 0 : index
    %get3A_73 = arith.constant 0 : index
    %get3A_74 = vector.load %arg1[%get3A_72, %get3A_73] : memref<8x16xf32, #tpu.memory_space<vmem>>, vector<8x16xf32>
    %reduce_max3A_75 = arith.constant dense<0xFF800000> : vector<16xf32>
    %reduce_max3A_76 = vector.multi_reduction <maximumf>, %get3A_74, %reduce_max3A_75 [0] : vector<8x16xf32> to vector<16xf32>
    %broadcast_in_dim3A_77 = vector.shape_cast %reduce_max3A_76 : vector<16xf32> to vector<1x16xf32>
    %sub3A_78 = vector.broadcast %broadcast_in_dim3A_77 : vector<1x16xf32> to vector<8x16xf32>
    %sub3A_79 = arith.subf %get3A_74, %sub3A_78 : vector<8x16xf32>
    %exp3A_80 = math.exp %sub3A_79 : vector<8x16xf32>
    %reduce_sum3A_81 = arith.constant dense<0.000000e+00> : vector<16xf32>
    %reduce_sum3A_82 = vector.multi_reduction <add>, %exp3A_80, %reduce_sum3A_81 [0] : vector<8x16xf32> to vector<16xf32>
    %broadcast_in_dim3A_83 = vector.shape_cast %reduce_sum3A_82 : vector<16xf32> to vector<1x16xf32>
    %div3A_84 = vector.broadcast %broadcast_in_dim3A_83 : vector<1x16xf32> to vector<8x16xf32>
    %div3A_85 = arith.divf %exp3A_80, %div3A_84 : vector<8x16xf32>
    %mul3A_86 = arith.constant 0.991999983 : f32
    %mul3A_87 = vector.broadcast %mul3A_86 : f32 to vector<8x16xf32>
    %mul3A_88 = arith.mulf %mul3A_87, %div3A_85 : vector<8x16xf32>
    %add3A_89 = arith.constant 1.000000e-03 : f32
    %add3A_90 = vector.broadcast %add3A_89 : f32 to vector<8x16xf32>
    %add3A_91 = arith.addf %add3A_90, %mul3A_88 : vector<8x16xf32>
    %broadcast_in_dim3A_92 = arith.constant -3.000000e+00 : f32
    %broadcast_in_dim3A_93 = vector.broadcast %broadcast_in_dim3A_92 : f32 to vector<1x16xf32>
    %broadcast_in_dim3A_94 = arith.constant 0.000000e+00 : f32
    %broadcast_in_dim3A_95 = vector.broadcast %broadcast_in_dim3A_94 : f32 to vector<1x16xf32>
    %slice3A_96 = vector.extract_strided_slice %add3A_91 {offsets = [0, 0], sizes = [1, 16], strides = [1, 1]} : vector<8x16xf32> to vector<1x16xf32>
    %add3A_97 = arith.addf %broadcast_in_dim3A_95, %slice3A_96 : vector<1x16xf32>
    %mul3A_98 = arith.constant 6.000000e+00 : f32
    %mul3A_99 = vector.broadcast %mul3A_98 : f32 to vector<1x16xf32>
    %mul3A_100 = arith.mulf %mul3A_99, %add3A_97 : vector<1x16xf32>
    %sub3A_101 = arith.constant 3.000000e+00 : f32
    %sub3A_102 = vector.broadcast %sub3A_101 : f32 to vector<1x16xf32>
    %sub3A_103 = arith.subf %mul3A_100, %sub3A_102 : vector<1x16xf32>
    %slice3A_104 = vector.extract_strided_slice %add3A_91 {offsets = [1, 0], sizes = [1, 16], strides = [1, 1]} : vector<8x16xf32> to vector<1x16xf32>
    %add3A_105 = arith.addf %add3A_97, %slice3A_104 : vector<1x16xf32>
    %mul3A_106 = arith.constant 6.000000e+00 : f32
    %mul3A_107 = vector.broadcast %mul3A_106 : f32 to vector<1x16xf32>
    %mul3A_108 = arith.mulf %mul3A_107, %add3A_105 : vector<1x16xf32>
    %sub3A_109 = arith.constant 3.000000e+00 : f32
    %sub3A_110 = vector.broadcast %sub3A_109 : f32 to vector<1x16xf32>
    %sub3A_111 = arith.subf %mul3A_108, %sub3A_110 : vector<1x16xf32>
    %slice3A_112 = vector.extract_strided_slice %add3A_91 {offsets = [2, 0], sizes = [1, 16], strides = [1, 1]} : vector<8x16xf32> to vector<1x16xf32>
    %add3A_113 = arith.addf %add3A_105, %slice3A_112 : vector<1x16xf32>
    %mul3A_114 = arith.constant 6.000000e+00 : f32
    %mul3A_115 = vector.broadcast %mul3A_114 : f32 to vector<1x16xf32>
    %mul3A_116 = arith.mulf %mul3A_115, %add3A_113 : vector<1x16xf32>
    %sub3A_117 = arith.constant 3.000000e+00 : f32
    %sub3A_118 = vector.broadcast %sub3A_117 : f32 to vector<1x16xf32>
    %sub3A_119 = arith.subf %mul3A_116, %sub3A_118 : vector<1x16xf32>
    %slice3A_120 = vector.extract_strided_slice %add3A_91 {offsets = [3, 0], sizes = [1, 16], strides = [1, 1]} : vector<8x16xf32> to vector<1x16xf32>
    %add3A_121 = arith.addf %add3A_113, %slice3A_120 : vector<1x16xf32>
    %mul3A_122 = arith.constant 6.000000e+00 : f32
    %mul3A_123 = vector.broadcast %mul3A_122 : f32 to vector<1x16xf32>
    %mul3A_124 = arith.mulf %mul3A_123, %add3A_121 : vector<1x16xf32>
    %sub3A_125 = arith.constant 3.000000e+00 : f32
    %sub3A_126 = vector.broadcast %sub3A_125 : f32 to vector<1x16xf32>
    %sub3A_127 = arith.subf %mul3A_124, %sub3A_126 : vector<1x16xf32>
    %slice3A_128 = vector.extract_strided_slice %add3A_91 {offsets = [4, 0], sizes = [1, 16], strides = [1, 1]} : vector<8x16xf32> to vector<1x16xf32>
    %add3A_129 = arith.addf %add3A_121, %slice3A_128 : vector<1x16xf32>
    %mul3A_130 = arith.constant 6.000000e+00 : f32
    %mul3A_131 = vector.broadcast %mul3A_130 : f32 to vector<1x16xf32>
    %mul3A_132 = arith.mulf %mul3A_131, %add3A_129 : vector<1x16xf32>
    %sub3A_133 = arith.constant 3.000000e+00 : f32
    %sub3A_134 = vector.broadcast %sub3A_133 : f32 to vector<1x16xf32>
    %sub3A_135 = arith.subf %mul3A_132, %sub3A_134 : vector<1x16xf32>
    %slice3A_136 = vector.extract_strided_slice %add3A_91 {offsets = [5, 0], sizes = [1, 16], strides = [1, 1]} : vector<8x16xf32> to vector<1x16xf32>
    %add3A_137 = arith.addf %add3A_129, %slice3A_136 : vector<1x16xf32>
    %mul3A_138 = arith.constant 6.000000e+00 : f32
    %mul3A_139 = vector.broadcast %mul3A_138 : f32 to vector<1x16xf32>
    %mul3A_140 = arith.mulf %mul3A_139, %add3A_137 : vector<1x16xf32>
    %sub3A_141 = arith.constant 3.000000e+00 : f32
    %sub3A_142 = vector.broadcast %sub3A_141 : f32 to vector<1x16xf32>
    %sub3A_143 = arith.subf %mul3A_140, %sub3A_142 : vector<1x16xf32>
    %slice3A_144 = vector.extract_strided_slice %add3A_91 {offsets = [6, 0], sizes = [1, 16], strides = [1, 1]} : vector<8x16xf32> to vector<1x16xf32>
    %add3A_145 = arith.addf %add3A_137, %slice3A_144 : vector<1x16xf32>
    %mul3A_146 = arith.constant 6.000000e+00 : f32
    %mul3A_147 = vector.broadcast %mul3A_146 : f32 to vector<1x16xf32>
    %mul3A_148 = arith.mulf %mul3A_147, %add3A_145 : vector<1x16xf32>
    %sub3A_149 = arith.constant 3.000000e+00 : f32
    %sub3A_150 = vector.broadcast %sub3A_149 : f32 to vector<1x16xf32>
    %sub3A_151 = arith.subf %mul3A_148, %sub3A_150 : vector<1x16xf32>
    %broadcast_in_dim3A_152 = arith.constant 3.000000e+00 : f32
    %broadcast_in_dim3A_153 = vector.broadcast %broadcast_in_dim3A_152 : f32 to vector<1x16xf32>
    %get3A_154 = arith.constant 0 : index
    %get3A_155 = arith.constant 0 : index
    %get3A_156 = vector.load %arg2[%get3A_154, %get3A_155] : memref<7x16xf32, #tpu.memory_space<vmem>>, vector<7x16xf32>
    %broadcast_in_dim3A_157 = arith.constant 0.53974241 : f32
    %broadcast_in_dim3A_158 = vector.broadcast %broadcast_in_dim3A_157 : f32 to vector<1x16xf32>
    %slice3A_159 = vector.extract_strided_slice %get3A_156 {offsets = [0, 0], sizes = [1, 16], strides = [1, 1]} : vector<7x16xf32> to vector<1x16xf32>
    %slice3A_160 = vector.extract_strided_slice %get3A_156 {offsets = [1, 0], sizes = [1, 16], strides = [1, 1]} : vector<7x16xf32> to vector<1x16xf32>
    %slice3A_161 = vector.extract_strided_slice %get3A_156 {offsets = [2, 0], sizes = [1, 16], strides = [1, 1]} : vector<7x16xf32> to vector<1x16xf32>
    %slice3A_162 = vector.extract_strided_slice %get3A_156 {offsets = [3, 0], sizes = [1, 16], strides = [1, 1]} : vector<7x16xf32> to vector<1x16xf32>
    %slice3A_163 = vector.extract_strided_slice %get3A_156 {offsets = [4, 0], sizes = [1, 16], strides = [1, 1]} : vector<7x16xf32> to vector<1x16xf32>
    %slice3A_164 = vector.extract_strided_slice %get3A_156 {offsets = [5, 0], sizes = [1, 16], strides = [1, 1]} : vector<7x16xf32> to vector<1x16xf32>
    %slice3A_165 = vector.extract_strided_slice %get3A_156 {offsets = [6, 0], sizes = [1, 16], strides = [1, 1]} : vector<7x16xf32> to vector<1x16xf32>
    %exp3A_166 = math.exp %broadcast_in_dim3A_158 : vector<1x16xf32>
    %log1p3A = math.log1p %exp3A_166 : vector<1x16xf32>
    %add3A_167 = arith.constant 1.000000e-03 : f32
    %add3A_168 = vector.broadcast %add3A_167 : f32 to vector<1x16xf32>
    %add3A_169 = arith.addf %add3A_168, %log1p3A : vector<1x16xf32>
    %exp3A_170 = math.exp %slice3A_159 : vector<1x16xf32>
    %log1p3A_171 = math.log1p %exp3A_170 : vector<1x16xf32>
    %add3A_172 = arith.constant 1.000000e-03 : f32
    %add3A_173 = vector.broadcast %add3A_172 : f32 to vector<1x16xf32>
    %add3A_174 = arith.addf %add3A_173, %log1p3A_171 : vector<1x16xf32>
    %exp3A_175 = math.exp %slice3A_160 : vector<1x16xf32>
    %log1p3A_176 = math.log1p %exp3A_175 : vector<1x16xf32>
    %add3A_177 = arith.constant 1.000000e-03 : f32
    %add3A_178 = vector.broadcast %add3A_177 : f32 to vector<1x16xf32>
    %add3A_179 = arith.addf %add3A_178, %log1p3A_176 : vector<1x16xf32>
    %exp3A_180 = math.exp %slice3A_161 : vector<1x16xf32>
    %log1p3A_181 = math.log1p %exp3A_180 : vector<1x16xf32>
    %add3A_182 = arith.constant 1.000000e-03 : f32
    %add3A_183 = vector.broadcast %add3A_182 : f32 to vector<1x16xf32>
    %add3A_184 = arith.addf %add3A_183, %log1p3A_181 : vector<1x16xf32>
    %exp3A_185 = math.exp %slice3A_162 : vector<1x16xf32>
    %log1p3A_186 = math.log1p %exp3A_185 : vector<1x16xf32>
    %add3A_187 = arith.constant 1.000000e-03 : f32
    %add3A_188 = vector.broadcast %add3A_187 : f32 to vector<1x16xf32>
    %add3A_189 = arith.addf %add3A_188, %log1p3A_186 : vector<1x16xf32>
    %exp3A_190 = math.exp %slice3A_163 : vector<1x16xf32>
    %log1p3A_191 = math.log1p %exp3A_190 : vector<1x16xf32>
    %add3A_192 = arith.constant 1.000000e-03 : f32
    %add3A_193 = vector.broadcast %add3A_192 : f32 to vector<1x16xf32>
    %add3A_194 = arith.addf %add3A_193, %log1p3A_191 : vector<1x16xf32>
    %exp3A_195 = math.exp %slice3A_164 : vector<1x16xf32>
    %log1p3A_196 = math.log1p %exp3A_195 : vector<1x16xf32>
    %add3A_197 = arith.constant 1.000000e-03 : f32
    %add3A_198 = vector.broadcast %add3A_197 : f32 to vector<1x16xf32>
    %add3A_199 = arith.addf %add3A_198, %log1p3A_196 : vector<1x16xf32>
    %exp3A_200 = math.exp %slice3A_165 : vector<1x16xf32>
    %log1p3A_201 = math.log1p %exp3A_200 : vector<1x16xf32>
    %add3A_202 = arith.constant 1.000000e-03 : f32
    %add3A_203 = vector.broadcast %add3A_202 : f32 to vector<1x16xf32>
    %add3A_204 = arith.addf %add3A_203, %log1p3A_201 : vector<1x16xf32>
    %exp3A_205 = math.exp %broadcast_in_dim3A_158 : vector<1x16xf32>
    %log1p3A_206 = math.log1p %exp3A_205 : vector<1x16xf32>
    %add3A_207 = arith.constant 1.000000e-03 : f32
    %add3A_208 = vector.broadcast %add3A_207 : f32 to vector<1x16xf32>
    %add3A_209 = arith.addf %add3A_208, %log1p3A_206 : vector<1x16xf32>
    %reshape3A = vector.shape_cast %broadcast_in_dim3A_12 : vector<1x16xf32> to vector<16xf32>
    %swap3A = arith.constant 0 : index
    %swap3A_210 = vector.load %arg3[%swap3A] : memref<672xf32, #tpu.memory_space<vmem>>, vector<16xf32>
    tpu.vector_store %arg3[%swap3A], %reshape3A {strides = array<i32>} : memref<672xf32, #tpu.memory_space<vmem>>, vector<16xf32>,
    %reshape3A_211 = vector.shape_cast %add3A_169 : vector<1x16xf32> to vector<16xf32>
    %swap3A_212 = arith.constant 528 : index
    %swap3A_213 = vector.load %arg3[%swap3A_212] : memref<672xf32, #tpu.memory_space<vmem>>, vector<16xf32>
    tpu.vector_store %arg3[%swap3A_212], %reshape3A_211 {strides = array<i32>} : memref<672xf32, #tpu.memory_space<vmem>>, vector<16xf32>,
    %reshape3A_214 = vector.shape_cast %sub3A_21 : vector<1x16xf32> to vector<16xf32>
    %swap3A_215 = arith.constant 16 : index
    %swap3A_216 = vector.load %arg3[%swap3A_215] : memref<672xf32, #tpu.memory_space<vmem>>, vector<16xf32>
    tpu.vector_store %arg3[%swap3A_215], %reshape3A_214 {strides = array<i32>} : memref<672xf32, #tpu.memory_space<vmem>>, vector<16xf32>,
    %reshape3A_217 = vector.shape_cast %add3A_174 : vector<1x16xf32> to vector<16xf32>
    %swap3A_218 = arith.constant 544 : index
    %swap3A_219 = vector.load %arg3[%swap3A_218] : memref<672xf32, #tpu.memory_space<vmem>>, vector<16xf32>
    tpu.vector_store %arg3[%swap3A_218], %reshape3A_217 {strides = array<i32>} : memref<672xf32, #tpu.memory_space<vmem>>, vector<16xf32>,
    %reshape3A_220 = vector.shape_cast %sub3A_29 : vector<1x16xf32> to vector<16xf32>
    %swap3A_221 = arith.constant 32 : index
    %swap3A_222 = vector.load %arg3[%swap3A_221] : memref<672xf32, #tpu.memory_space<vmem>>, vector<16xf32>
    tpu.vector_store %arg3[%swap3A_221], %reshape3A_220 {strides = array<i32>} : memref<672xf32, #tpu.memory_space<vmem>>, vector<16xf32>,
    %reshape3A_223 = vector.shape_cast %add3A_179 : vector<1x16xf32> to vector<16xf32>
    %swap3A_224 = arith.constant 560 : index
    %swap3A_225 = vector.load %arg3[%swap3A_224] : memref<672xf32, #tpu.memory_space<vmem>>, vector<16xf32>
    tpu.vector_store %arg3[%swap3A_224], %reshape3A_223 {strides = array<i32>} : memref<672xf32, #tpu.memory_space<vmem>>, vector<16xf32>,
    %reshape3A_226 = vector.shape_cast %sub3A_37 : vector<1x16xf32> to vector<16xf32>
    %swap3A_227 = arith.constant 48 : index
    %swap3A_228 = vector.load %arg3[%swap3A_227] : memref<672xf32, #tpu.memory_space<vmem>>, vector<16xf32>
    tpu.vector_store %arg3[%swap3A_227], %reshape3A_226 {strides = array<i32>} : memref<672xf32, #tpu.memory_space<vmem>>, vector<16xf32>,
    %reshape3A_229 = vector.shape_cast %add3A_184 : vector<1x16xf32> to vector<16xf32>
    %swap3A_230 = arith.constant 576 : index
    %swap3A_231 = vector.load %arg3[%swap3A_230] : memref<672xf32, #tpu.memory_space<vmem>>, vector<16xf32>
    tpu.vector_store %arg3[%swap3A_230], %reshape3A_229 {strides = array<i32>} : memref<672xf32, #tpu.memory_space<vmem>>, vector<16xf32>,
    %reshape3A_232 = vector.shape_cast %sub3A_45 : vector<1x16xf32> to vector<16xf32>
    %swap3A_233 = arith.constant 64 : index
    %swap3A_234 = vector.load %arg3[%swap3A_233] : memref<672xf32, #tpu.memory_space<vmem>>, vector<16xf32>
    tpu.vector_store %arg3[%swap3A_233], %reshape3A_232 {strides = array<i32>} : memref<672xf32, #tpu.memory_space<vmem>>, vector<16xf32>,
    %reshape3A_235 = vector.shape_cast %add3A_189 : vector<1x16xf32> to vector<16xf32>
    %swap3A_236 = arith.constant 592 : index
    %swap3A_237 = vector.load %arg3[%swap3A_236] : memref<672xf32, #tpu.memory_space<vmem>>, vector<16xf32>
    tpu.vector_store %arg3[%swap3A_236], %reshape3A_235 {strides = array<i32>} : memref<672xf32, #tpu.memory_space<vmem>>, vector<16xf32>,
    %reshape3A_238 = vector.shape_cast %sub3A_53 : vector<1x16xf32> to vector<16xf32>
    %swap3A_239 = arith.constant 80 : index
    %swap3A_240 = vector.load %arg3[%swap3A_239] : memref<672xf32, #tpu.memory_space<vmem>>, vector<16xf32>
    tpu.vector_store %arg3[%swap3A_239], %reshape3A_238 {strides = array<i32>} : memref<672xf32, #tpu.memory_space<vmem>>, vector<16xf32>,
    %reshape3A_241 = vector.shape_cast %add3A_194 : vector<1x16xf32> to vector<16xf32>
    %swap3A_242 = arith.constant 608 : index
    %swap3A_243 = vector.load %arg3[%swap3A_242] : memref<672xf32, #tpu.memory_space<vmem>>, vector<16xf32>
    tpu.vector_store %arg3[%swap3A_242], %reshape3A_241 {strides = array<i32>} : memref<672xf32, #tpu.memory_space<vmem>>, vector<16xf32>,
    %reshape3A_244 = vector.shape_cast %sub3A_61 : vector<1x16xf32> to vector<16xf32>
    %swap3A_245 = arith.constant 96 : index
    %swap3A_246 = vector.load %arg3[%swap3A_245] : memref<672xf32, #tpu.memory_space<vmem>>, vector<16xf32>
    tpu.vector_store %arg3[%swap3A_245], %reshape3A_244 {strides = array<i32>} : memref<672xf32, #tpu.memory_space<vmem>>, vector<16xf32>,
    %reshape3A_247 = vector.shape_cast %add3A_199 : vector<1x16xf32> to vector<16xf32>
    %swap3A_248 = arith.constant 624 : index
    %swap3A_249 = vector.load %arg3[%swap3A_248] : memref<672xf32, #tpu.memory_space<vmem>>, vector<16xf32>
    tpu.vector_store %arg3[%swap3A_248], %reshape3A_247 {strides = array<i32>} : memref<672xf32, #tpu.memory_space<vmem>>, vector<16xf32>,
    %reshape3A_250 = vector.shape_cast %sub3A_69 : vector<1x16xf32> to vector<16xf32>
    %swap3A_251 = arith.constant 112 : index
    %swap3A_252 = vector.load %arg3[%swap3A_251] : memref<672xf32, #tpu.memory_space<vmem>>, vector<16xf32>
    tpu.vector_store %arg3[%swap3A_251], %reshape3A_250 {strides = array<i32>} : memref<672xf32, #tpu.memory_space<vmem>>, vector<16xf32>,
    %reshape3A_253 = vector.shape_cast %add3A_204 : vector<1x16xf32> to vector<16xf32>
    %swap3A_254 = arith.constant 640 : index
    %swap3A_255 = vector.load %arg3[%swap3A_254] : memref<672xf32, #tpu.memory_space<vmem>>, vector<16xf32>
    tpu.vector_store %arg3[%swap3A_254], %reshape3A_253 {strides = array<i32>} : memref<672xf32, #tpu.memory_space<vmem>>, vector<16xf32>,
    %reshape3A_256 = vector.shape_cast %broadcast_in_dim3A_71 : vector<1x16xf32> to vector<16xf32>
    %swap3A_257 = arith.constant 128 : index
    %swap3A_258 = vector.load %arg3[%swap3A_257] : memref<672xf32, #tpu.memory_space<vmem>>, vector<16xf32>
    tpu.vector_store %arg3[%swap3A_257], %reshape3A_256 {strides = array<i32>} : memref<672xf32, #tpu.memory_space<vmem>>, vector<16xf32>,
    %reshape3A_259 = vector.shape_cast %add3A_209 : vector<1x16xf32> to vector<16xf32>
    %swap3A_260 = arith.constant 656 : index
    %swap3A_261 = vector.load %arg3[%swap3A_260] : memref<672xf32, #tpu.memory_space<vmem>>, vector<16xf32>
    tpu.vector_store %arg3[%swap3A_260], %reshape3A_259 {strides = array<i32>} : memref<672xf32, #tpu.memory_space<vmem>>, vector<16xf32>,
    %sub3A_262 = arith.subf %sub3A_21, %broadcast_in_dim3A_12 : vector<1x16xf32>
    %div3A_263 = arith.constant 1.000000e+00 : f32
    %div3A_264 = vector.broadcast %div3A_263 : f32 to vector<1x16xf32>
    %div3A_265 = arith.divf %div3A_264, %sub3A_262 : vector<1x16xf32>
    %reshape3A_266 = vector.shape_cast %div3A_265 : vector<1x16xf32> to vector<16xf32>
    %swap3A_267 = arith.constant 144 : index
    %swap3A_268 = vector.load %arg3[%swap3A_267] : memref<672xf32, #tpu.memory_space<vmem>>, vector<16xf32>
    tpu.vector_store %arg3[%swap3A_267], %reshape3A_266 {strides = array<i32>} : memref<672xf32, #tpu.memory_space<vmem>>, vector<16xf32>,
    %sub3A_269 = arith.subf %sub3A_103, %broadcast_in_dim3A_93 : vector<1x16xf32>
    %reshape3A_270 = vector.shape_cast %sub3A_269 : vector<1x16xf32> to vector<16xf32>
    %swap3A_271 = arith.constant 272 : index
    %swap3A_272 = vector.load %arg3[%swap3A_271] : memref<672xf32, #tpu.memory_space<vmem>>, vector<16xf32>
    tpu.vector_store %arg3[%swap3A_271], %reshape3A_270 {strides = array<i32>} : memref<672xf32, #tpu.memory_space<vmem>>, vector<16xf32>,
    %reshape3A_273 = vector.shape_cast %broadcast_in_dim3A_93 : vector<1x16xf32> to vector<16xf32>
    %swap3A_274 = arith.constant 400 : index
    %swap3A_275 = vector.load %arg3[%swap3A_274] : memref<672xf32, #tpu.memory_space<vmem>>, vector<16xf32>
    tpu.vector_store %arg3[%swap3A_274], %reshape3A_273 {strides = array<i32>} : memref<672xf32, #tpu.memory_space<vmem>>, vector<16xf32>,
    %sub3A_276 = arith.subf %sub3A_29, %sub3A_21 : vector<1x16xf32>
    %div3A_277 = arith.constant 1.000000e+00 : f32
    %div3A_278 = vector.broadcast %div3A_277 : f32 to vector<1x16xf32>
    %div3A_279 = arith.divf %div3A_278, %sub3A_276 : vector<1x16xf32>
    %reshape3A_280 = vector.shape_cast %div3A_279 : vector<1x16xf32> to vector<16xf32>
    %swap3A_281 = arith.constant 160 : index
    %swap3A_282 = vector.load %arg3[%swap3A_281] : memref<672xf32, #tpu.memory_space<vmem>>, vector<16xf32>
    tpu.vector_store %arg3[%swap3A_281], %reshape3A_280 {strides = array<i32>} : memref<672xf32, #tpu.memory_space<vmem>>, vector<16xf32>,
    %sub3A_283 = arith.subf %sub3A_111, %sub3A_103 : vector<1x16xf32>
    %reshape3A_284 = vector.shape_cast %sub3A_283 : vector<1x16xf32> to vector<16xf32>
    %swap3A_285 = arith.constant 288 : index
    %swap3A_286 = vector.load %arg3[%swap3A_285] : memref<672xf32, #tpu.memory_space<vmem>>, vector<16xf32>
    tpu.vector_store %arg3[%swap3A_285], %reshape3A_284 {strides = array<i32>} : memref<672xf32, #tpu.memory_space<vmem>>, vector<16xf32>,
    %reshape3A_287 = vector.shape_cast %sub3A_103 : vector<1x16xf32> to vector<16xf32>
    %swap3A_288 = arith.constant 416 : index
    %swap3A_289 = vector.load %arg3[%swap3A_288] : memref<672xf32, #tpu.memory_space<vmem>>, vector<16xf32>
    tpu.vector_store %arg3[%swap3A_288], %reshape3A_287 {strides = array<i32>} : memref<672xf32, #tpu.memory_space<vmem>>, vector<16xf32>,
    %sub3A_290 = arith.subf %sub3A_37, %sub3A_29 : vector<1x16xf32>
    %div3A_291 = arith.constant 1.000000e+00 : f32
    %div3A_292 = vector.broadcast %div3A_291 : f32 to vector<1x16xf32>
    %div3A_293 = arith.divf %div3A_292, %sub3A_290 : vector<1x16xf32>
    %reshape3A_294 = vector.shape_cast %div3A_293 : vector<1x16xf32> to vector<16xf32>
    %swap3A_295 = arith.constant 176 : index
    %swap3A_296 = vector.load %arg3[%swap3A_295] : memref<672xf32, #tpu.memory_space<vmem>>, vector<16xf32>
    tpu.vector_store %arg3[%swap3A_295], %reshape3A_294 {strides = array<i32>} : memref<672xf32, #tpu.memory_space<vmem>>, vector<16xf32>,
    %sub3A_297 = arith.subf %sub3A_119, %sub3A_111 : vector<1x16xf32>
    %reshape3A_298 = vector.shape_cast %sub3A_297 : vector<1x16xf32> to vector<16xf32>
    %swap3A_299 = arith.constant 304 : index
    %swap3A_300 = vector.load %arg3[%swap3A_299] : memref<672xf32, #tpu.memory_space<vmem>>, vector<16xf32>
    tpu.vector_store %arg3[%swap3A_299], %reshape3A_298 {strides = array<i32>} : memref<672xf32, #tpu.memory_space<vmem>>, vector<16xf32>,
    %reshape3A_301 = vector.shape_cast %sub3A_111 : vector<1x16xf32> to vector<16xf32>
    %swap3A_302 = arith.constant 432 : index
    %swap3A_303 = vector.load %arg3[%swap3A_302] : memref<672xf32, #tpu.memory_space<vmem>>, vector<16xf32>
    tpu.vector_store %arg3[%swap3A_302], %reshape3A_301 {strides = array<i32>} : memref<672xf32, #tpu.memory_space<vmem>>, vector<16xf32>,
    %sub3A_304 = arith.subf %sub3A_45, %sub3A_37 : vector<1x16xf32>
    %div3A_305 = arith.constant 1.000000e+00 : f32
    %div3A_306 = vector.broadcast %div3A_305 : f32 to vector<1x16xf32>
    %div3A_307 = arith.divf %div3A_306, %sub3A_304 : vector<1x16xf32>
    %reshape3A_308 = vector.shape_cast %div3A_307 : vector<1x16xf32> to vector<16xf32>
    %swap3A_309 = arith.constant 192 : index
    %swap3A_310 = vector.load %arg3[%swap3A_309] : memref<672xf32, #tpu.memory_space<vmem>>, vector<16xf32>
    tpu.vector_store %arg3[%swap3A_309], %reshape3A_308 {strides = array<i32>} : memref<672xf32, #tpu.memory_space<vmem>>, vector<16xf32>,
    %sub3A_311 = arith.subf %sub3A_127, %sub3A_119 : vector<1x16xf32>
    %reshape3A_312 = vector.shape_cast %sub3A_311 : vector<1x16xf32> to vector<16xf32>
    %swap3A_313 = arith.constant 320 : index
    %swap3A_314 = vector.load %arg3[%swap3A_313] : memref<672xf32, #tpu.memory_space<vmem>>, vector<16xf32>
    tpu.vector_store %arg3[%swap3A_313], %reshape3A_312 {strides = array<i32>} : memref<672xf32, #tpu.memory_space<vmem>>, vector<16xf32>,
    %reshape3A_315 = vector.shape_cast %sub3A_119 : vector<1x16xf32> to vector<16xf32>
    %swap3A_316 = arith.constant 448 : index
    %swap3A_317 = vector.load %arg3[%swap3A_316] : memref<672xf32, #tpu.memory_space<vmem>>, vector<16xf32>
    tpu.vector_store %arg3[%swap3A_316], %reshape3A_315 {strides = array<i32>} : memref<672xf32, #tpu.memory_space<vmem>>, vector<16xf32>,
    %sub3A_318 = arith.subf %sub3A_53, %sub3A_45 : vector<1x16xf32>
    %div3A_319 = arith.constant 1.000000e+00 : f32
    %div3A_320 = vector.broadcast %div3A_319 : f32 to vector<1x16xf32>
    %div3A_321 = arith.divf %div3A_320, %sub3A_318 : vector<1x16xf32>
    %reshape3A_322 = vector.shape_cast %div3A_321 : vector<1x16xf32> to vector<16xf32>
    %swap3A_323 = arith.constant 208 : index
    %swap3A_324 = vector.load %arg3[%swap3A_323] : memref<672xf32, #tpu.memory_space<vmem>>, vector<16xf32>
    tpu.vector_store %arg3[%swap3A_323], %reshape3A_322 {strides = array<i32>} : memref<672xf32, #tpu.memory_space<vmem>>, vector<16xf32>,
    %sub3A_325 = arith.subf %sub3A_135, %sub3A_127 : vector<1x16xf32>
    %reshape3A_326 = vector.shape_cast %sub3A_325 : vector<1x16xf32> to vector<16xf32>
    %swap3A_327 = arith.constant 336 : index
    %swap3A_328 = vector.load %arg3[%swap3A_327] : memref<672xf32, #tpu.memory_space<vmem>>, vector<16xf32>
    tpu.vector_store %arg3[%swap3A_327], %reshape3A_326 {strides = array<i32>} : memref<672xf32, #tpu.memory_space<vmem>>, vector<16xf32>,
    %reshape3A_329 = vector.shape_cast %sub3A_127 : vector<1x16xf32> to vector<16xf32>
    %swap3A_330 = arith.constant 464 : index
    %swap3A_331 = vector.load %arg3[%swap3A_330] : memref<672xf32, #tpu.memory_space<vmem>>, vector<16xf32>
    tpu.vector_store %arg3[%swap3A_330], %reshape3A_329 {strides = array<i32>} : memref<672xf32, #tpu.memory_space<vmem>>, vector<16xf32>,
    %sub3A_332 = arith.subf %sub3A_61, %sub3A_53 : vector<1x16xf32>
    %div3A_333 = arith.constant 1.000000e+00 : f32
    %div3A_334 = vector.broadcast %div3A_333 : f32 to vector<1x16xf32>
    %div3A_335 = arith.divf %div3A_334, %sub3A_332 : vector<1x16xf32>
    %reshape3A_336 = vector.shape_cast %div3A_335 : vector<1x16xf32> to vector<16xf32>
    %swap3A_337 = arith.constant 224 : index
    %swap3A_338 = vector.load %arg3[%swap3A_337] : memref<672xf32, #tpu.memory_space<vmem>>, vector<16xf32>
    tpu.vector_store %arg3[%swap3A_337], %reshape3A_336 {strides = array<i32>} : memref<672xf32, #tpu.memory_space<vmem>>, vector<16xf32>,
    %sub3A_339 = arith.subf %sub3A_143, %sub3A_135 : vector<1x16xf32>
    %reshape3A_340 = vector.shape_cast %sub3A_339 : vector<1x16xf32> to vector<16xf32>
    %swap3A_341 = arith.constant 352 : index
    %swap3A_342 = vector.load %arg3[%swap3A_341] : memref<672xf32, #tpu.memory_space<vmem>>, vector<16xf32>
    tpu.vector_store %arg3[%swap3A_341], %reshape3A_340 {strides = array<i32>} : memref<672xf32, #tpu.memory_space<vmem>>, vector<16xf32>,
    %reshape3A_343 = vector.shape_cast %sub3A_135 : vector<1x16xf32> to vector<16xf32>
    %swap3A_344 = arith.constant 480 : index
    %swap3A_345 = vector.load %arg3[%swap3A_344] : memref<672xf32, #tpu.memory_space<vmem>>, vector<16xf32>
    tpu.vector_store %arg3[%swap3A_344], %reshape3A_343 {strides = array<i32>} : memref<672xf32, #tpu.memory_space<vmem>>, vector<16xf32>,
    %sub3A_346 = arith.subf %sub3A_69, %sub3A_61 : vector<1x16xf32>
    %div3A_347 = arith.constant 1.000000e+00 : f32
    %div3A_348 = vector.broadcast %div3A_347 : f32 to vector<1x16xf32>
    %div3A_349 = arith.divf %div3A_348, %sub3A_346 : vector<1x16xf32>
    %reshape3A_350 = vector.shape_cast %div3A_349 : vector<1x16xf32> to vector<16xf32>
    %swap3A_351 = arith.constant 240 : index
    %swap3A_352 = vector.load %arg3[%swap3A_351] : memref<672xf32, #tpu.memory_space<vmem>>, vector<16xf32>
    tpu.vector_store %arg3[%swap3A_351], %reshape3A_350 {strides = array<i32>} : memref<672xf32, #tpu.memory_space<vmem>>, vector<16xf32>,
    %sub3A_353 = arith.subf %sub3A_151, %sub3A_143 : vector<1x16xf32>
    %reshape3A_354 = vector.shape_cast %sub3A_353 : vector<1x16xf32> to vector<16xf32>
    %swap3A_355 = arith.constant 368 : index
    %swap3A_356 = vector.load %arg3[%swap3A_355] : memref<672xf32, #tpu.memory_space<vmem>>, vector<16xf32>
    tpu.vector_store %arg3[%swap3A_355], %reshape3A_354 {strides = array<i32>} : memref<672xf32, #tpu.memory_space<vmem>>, vector<16xf32>,
    %reshape3A_357 = vector.shape_cast %sub3A_143 : vector<1x16xf32> to vector<16xf32>
    %swap3A_358 = arith.constant 496 : index
    %swap3A_359 = vector.load %arg3[%swap3A_358] : memref<672xf32, #tpu.memory_space<vmem>>, vector<16xf32>
    tpu.vector_store %arg3[%swap3A_358], %reshape3A_357 {strides = array<i32>} : memref<672xf32, #tpu.memory_space<vmem>>, vector<16xf32>,
    %sub3A_360 = arith.subf %broadcast_in_dim3A_71, %sub3A_69 : vector<1x16xf32>
    %div3A_361 = arith.constant 1.000000e+00 : f32
    %div3A_362 = vector.broadcast %div3A_361 : f32 to vector<1x16xf32>
    %div3A_363 = arith.divf %div3A_362, %sub3A_360 : vector<1x16xf32>
    %reshape3A_364 = vector.shape_cast %div3A_363 : vector<1x16xf32> to vector<16xf32>
    %swap3A_365 = arith.constant 256 : index
    %swap3A_366 = vector.load %arg3[%swap3A_365] : memref<672xf32, #tpu.memory_space<vmem>>, vector<16xf32>
    tpu.vector_store %arg3[%swap3A_365], %reshape3A_364 {strides = array<i32>} : memref<672xf32, #tpu.memory_space<vmem>>, vector<16xf32>,
    %sub3A_367 = arith.subf %broadcast_in_dim3A_153, %sub3A_151 : vector<1x16xf32>
    %reshape3A_368 = vector.shape_cast %sub3A_367 : vector<1x16xf32> to vector<16xf32>
    %swap3A_369 = arith.constant 384 : index
    %swap3A_370 = vector.load %arg3[%swap3A_369] : memref<672xf32, #tpu.memory_space<vmem>>, vector<16xf32>
    tpu.vector_store %arg3[%swap3A_369], %reshape3A_368 {strides = array<i32>} : memref<672xf32, #tpu.memory_space<vmem>>, vector<16xf32>,
    %reshape3A_371 = vector.shape_cast %sub3A_151 : vector<1x16xf32> to vector<16xf32>
    %swap3A_372 = arith.constant 512 : index
    %swap3A_373 = vector.load %arg3[%swap3A_372] : memref<672xf32, #tpu.memory_space<vmem>>, vector<16xf32>
    tpu.vector_store %arg3[%swap3A_372], %reshape3A_371 {strides = array<i32>} : memref<672xf32, #tpu.memory_space<vmem>>, vector<16xf32>,
    return
  }
}

</mosaic_0001>

<sc_bundles>
// kernel: kernel.4.cloned.1.call-start
scs
__scs_entry_jumppad:
0x0: {  	(pc) =	sbr.rel $0x88, $3  }
0x1: {  	(tag) =	ssettag $0x0;
	lr =	simm.s32 $0x1  }
0x2: {  	[smem:$0x3F9D] =	sst lr;
	_ =	strace $0xD0000000  }
0x3: {  	_ = 	snop  }
0x4: {  	_ = 	snop  }
0x5: {  	_ = 	snop  }
0x6: {  	_ = 	snop  }
0x7: {  	_ = 	snop  }
__scs_overlays_trampoline_lowered:
0x8: {  	[smem:$0x3FAC] =	sst s0  }
0x9: {  	[smem:$0x3FAD] =	sst s1  }
0xa: {  	[smem:$0x3FAE] =	sst s2  }
0xb: {  	[smem:$0x3FAF] =	sst s3  }
0xc: {  	[smem:$0x3FB0] =	sst s4  }
0xd: {  	[smem:$0x3FB1] =	sst s5  }
0xe: {  	[smem:$0x3FB2] =	sst s6  }
0xf: {  	[smem:$0x3FB3] =	sst s7  }
0x10: {  	[smem:$0x3FB4] =	sst s8  }
0x11: {  	[smem:$0x3FB5] =	sst s9;
	s0 =	simm.s32 @!p0 $0x0  }
0x12: {  	s1 =	sld [smem:$0x3F9B];
	s0 =	simm.s32 @p0 $0x1  }
0x13: {  	[smem:$0x3FB6] =	sst s0;
	s0 =	simm.s32 @!p1 $0x0  }
0x14: {  	s2 =	sld [smem:$0x3F9A];
	s0 =	simm.s32 @p1 $0x1  }
0x15: {  	[smem:$0x3FB7] =	sst s0;
	s0 =	simm.s32 @!p2 $0x0  }
0x16: {  	s3 =	sld [smem:$0x3FDB];
	s0 =	simm.s32 @p2 $0x1  }
0x17: {  	s4 =	simm.s32 $0x1BF5;
	[smem:$0x3FB9] =	sst s0  }
0x18: {  	s0 =	sld [smem:$0x3F9C];
	_ =	swait.ge [sflag:s4], $0x0  }
0x19: {  	s7 =	sld [smem:$0x3F9D]  }
0x1a: {  	s8 =	sadd.s32 $0xFFFFE003, lr  }
0x1b: {  	s9 =	sadd.s32 $0xFFFFFEF7, lr;
	s5 =	simm.s32 $0xFFFFFFFF;
	p2 =	slt.u32 s8, $0xFFFFF086  }
0x1c: {  	p1 =	slt.u32 s9, $0xF7A;
	s5 =	simm.s32 @!p2 $0x0  }
0x1d: {  	s5 =	simm.s32 @p1 $0x1;
	p0 =	seq.s32 s7, s2  }
0x1e: {  	s7 =	smul.u32 @!p0 $0xF7A, s2;
	p2 =	seq.s32 @!p0 s5, $0x0  }
0x1f: {  	s9 =	smul.u32 $0xF7A, s1;
	s8 =	simm.s32 @!p0 $0x1BF5;
	p2 =	por !p2, p0  }
0x20: {  	[sflag:s8] =	ssyncset.s32 @!p0 $0xFFFFF086;
	s6 =	sadd.s32 @!p0 s3, s7;
	s7 =	simm.s32 @!p0 $0x108  }
0x21: {  	s3 =	sadd.s32 s3, s9;
	s6 =	sadd.s32 @!p0 $0x88, s6;
	s7 =	simm.s32 @p2 $0x1082  }
0x22: {  	[simem:s7], [sflag:s8] =	dma.local @!p0 [hbm:s6], $0xF7A  }
0x23: {  	s9 =	sor.u32 $0xD0000000, s2;
	s6 =	simm.s32 $0x108;
	_ =	swait.ge @!p0 [sflag:s8], $0x0  }
0x24: {  	s3 =	sadd.s32 $0x88, s3;
	s6 =	simm.s32 @!p1 $0x1082;
	[sflag:s4] =	ssyncset.s32 $0xFFFFF086  }
0x25: {  	[simem:s6], [sflag:s4] =	dma.local [hbm:s3], $0xF7A  }
0x26: {  	[smem:$0x3F9D] =	sst s1;
	(tag) =	ssettag s2;
	_ =	strace s9  }
0x27: {  	s1 =	sld [smem:$0x3FAD]  }
0x28: {  	s2 =	sld [smem:$0x3FAE]  }
0x29: {  	s4 =	sld [smem:$0x3FB0]  }
0x2a: {  	p0 =	seq.s32 s5, $0x0;
	s5 =	sld [smem:$0x3FB1]  }
0x2b: {  	s6 =	sld [smem:$0x3FB2]  }
0x2c: {  	s7 =	sld [smem:$0x3FB3]  }
0x2d: {  	s3 =	simm.s32 $0x108;
	s8 =	sld [smem:$0x3FB4]  }
0x2e: {  	s3 =	simm.s32 @!p0 $0x1082;
	s9 =	sld [smem:$0x3FB5]  }
0x2f: {  	lr =	sadd.s32 s0, s3;
	s0 =	sld [smem:$0x3FAC]  }
0x30: {  	s3 =	sld [smem:$0x3FAF]  }
0x31: {  	[smem:$0x3FB8] =	sst s10  }
0x32: {  	s10 =	sld [smem:$0x3FB6];
	_ =	sdelay $0x3  }
0x33: {  	p0 =	seq.s32 s10, $0x1;
	s10 =	sld [smem:$0x3FB8];
	_ =	sdelay $0x3  }
0x34: {  	[smem:$0x3FB8] =	sst s10  }
0x35: {  	s10 =	sld [smem:$0x3FB7];
	_ =	sdelay $0x3  }
0x36: {  	p1 =	seq.s32 s10, $0x1;
	s10 =	sld [smem:$0x3FB8];
	_ =	sdelay $0x3  }
0x37: {  	[smem:$0x3FB8] =	sst s10  }
0x38: {  	s10 =	sld [smem:$0x3FB9]  }
0x39: {  	_ = 	snop;
	(pc) =	sbr.ind lr, $3  }
0x3a: {  	_ = 	snop  }
0x3b: {  	_ = 	snop  }
0x3c: {  	p2 =	seq.s32 s10, $0x1;
	s10 =	sld [smem:$0x3FB8]  }
0x3d: {  	_ =	shalt  }
0x3e: {  	_ =	shalt  }
0x3f: {  	_ =	shalt  }
0x40: {  	_ =	shalt  }
0x41: {  	_ =	shalt  }
0x42: {  	_ =	shalt  }
0x43: {  	_ =	shalt  }
0x44: {  	_ =	shalt  }
0x45: {  	_ =	shalt  }
0x46: {  	_ =	shalt  }
0x47: {  	_ =	shalt  }
0x48: {  	_ =	shalt  }
0x49: {  	_ =	shalt  }
0x4a: {  	_ =	shalt  }
0x4b: {  	_ =	shalt  }
0x4c: {  	_ =	shalt  }
0x4d: {  	_ =	shalt  }
0x4e: {  	_ =	shalt  }
0x4f: {  	_ =	shalt  }
0x50: {  	_ =	shalt  }
0x51: {  	_ =	shalt  }
0x52: {  	_ =	shalt  }
0x53: {  	_ =	shalt  }
0x54: {  	_ =	shalt  }
0x55: {  	_ =	shalt  }
0x56: {  	_ =	shalt  }
0x57: {  	_ =	shalt  }
0x58: {  	_ =	shalt  }
0x59: {  	_ =	shalt  }
0x5a: {  	_ =	shalt  }
0x5b: {  	_ =	shalt  }
0x5c: {  	_ =	shalt  }
0x5d: {  	_ =	shalt  }
0x5e: {  	_ =	shalt  }
0x5f: {  	_ =	shalt  }
0x60: {  	_ =	shalt  }
0x61: {  	_ =	shalt  }
0x62: {  	_ =	shalt  }
0x63: {  	_ =	shalt  }
0x64: {  	_ =	shalt  }
0x65: {  	_ =	shalt  }
0x66: {  	_ =	shalt  }
0x67: {  	_ =	shalt  }
0x68: {  	_ =	shalt  }
0x69: {  	_ =	shalt  }
0x6a: {  	_ =	shalt  }
0x6b: {  	_ =	shalt  }
0x6c: {  	_ =	shalt  }
0x6d: {  	_ =	shalt  }
0x6e: {  	_ =	shalt  }
0x6f: {  	_ =	shalt  }
0x70: {  	_ =	shalt  }
0x71: {  	_ =	shalt  }
0x72: {  	_ =	shalt  }
0x73: {  	_ =	shalt  }
0x74: {  	_ =	shalt  }
0x75: {  	_ =	shalt  }
0x76: {  	_ =	shalt  }
0x77: {  	_ =	shalt  }
0x78: {  	_ =	shalt  }
0x79: {  	_ =	shalt  }
0x7a: {  	_ =	shalt  }
0x7b: {  	_ =	shalt  }
0x7c: {  	_ =	shalt  }
0x7d: {  	_ =	shalt  }
0x7e: {  	_ =	shalt  }
0x7f: {  	_ =	shalt  }
0x80: {  	_ =	shalt  }
0x81: {  	_ =	shalt  }
0x82: {  	_ =	shalt  }
0x83: {  	_ =	shalt  }
0x84: {  	_ =	shalt  }
0x85: {  	_ =	shalt  }
0x86: {  	_ =	shalt  }
0x87: {  	_ =	shalt  }
.Lfunc_end0:
.L_simem_size_0:
called_computation_lowered:
.L_overlay_start_0:
0x88: {  	s2 =	sld [smem:$0x3FD9]  }
0x89: {  	s3 =	sld [smem:$0x3FFE];
	_ =	sdelay $0x1  }
0x8a: {  	s1 =	srdreg.scid  }
0x8b: {  	s0 =	sand.u32 $0x1, s1  }
0x8c: {  	s14 =	sshll.u32 s0, $0xA;
	s2 =	sadd.s32 s3, s2  }
0x8d: {  	s2 =	sadd.s32 s2, s14  }
0x8e: {  	[smem:$0x3FC4] =	sst s2  }
0x8f: {  	_ = 	snop  }
0x90: {  	s2 =	sld [smem:$0x3FD0];
	_ =	sdelay $0x2  }
0x91: {  	s15 =	simm.s32 $0xA;
	s4 =	simm.s32 $0x10  }
0x92: {  	[smem:s4], [sflag:s15] =	dma.local [hbm:s2], $0x1  }
0x93: {  	_ =	swait.eq [sflag:s15], $0x1  }
0x94: {  	[sflag:s15] =	ssyncset.done $0x0  }
0x95: {  	[sflag:s15] =	ssyncadd.s32 $0xFFFFFFFF  }
0x96: {  	s16 =	sld [smem:$0x11];
	(tm) =	ssettm $0x1  }
0x97: {  	s17 =	sld [smem:$0x3FFB];
	_ =	sdelay $0x3  }
0x98: {  	_ =	strace s17  }
0x99: {  	s3 =	sld [smem:$0x3FFC];
	_ =	sdelay $0x3  }
0x9a: {  	_ =	strace s3  }
0x9b: {  	s3 =	sld [smem:$0x3FFD];
	_ =	sdelay $0x3  }
0x9c: {  	_ =	strace s3  }
0x9d: {  	_ =	strace $0x8FFFFFFF  }
0x9e: {  	s18 =	sld [smem:$0x3FDB];
	_ =	sdelay $0x1  }
0x9f: {  	s19 =	simm.s32 $_scs_section_size  }
0xa0: {  	s5 =	simm.s32 $_size__tile_overlayer_lowered;
	s6 =	simm.s32 $_tile_overlayer_lowered  }
0xa1: {  	s22 =	simm.s32 $0x1BFF;
	s21 =	sshll.u32 s6, $0x1;
	s3 =	sadd.s32 s19, s18  }
0xa2: {  	s7 =	simm.s32 $0x0;
	s20 =	sshll.u32 s5, $0x1;
	s5 =	sadd.s32 s21, s3  }
0xa3: {  	[timem:s7], [sflag:s22] =	dma.local [hbm:s5], s20  }
0xa4: {  	_ =	swait.ge [sflag:s22], s20  }
0xa5: {  	s4 =	ssub.s32 $0x0, s20;
	[sflag:s22] =	ssyncset.done $0x0  }
0xa6: {  	[sflag:s22] =	ssyncadd.s32 s4;
	_ =	sdelay $0x1  }
0xa7: {  	s23 =	simm.s32 $0x1B8B  }
0xa8: {  	_ =	swait.ge [sflag:s23], $0x1  }
0xa9: {  	[sflag:s23] =	ssyncset.done $0x0  }
0xaa: {  	s25 =	simm.s32 $0x1B8E;
	s24 =	sld [smem:$0x3FFE];
	[sflag:s23] =	ssyncadd.s32 $0xFFFFFFFF  }
0xab: {  	s26 =	simm.s32 $execute0_lowered;
	[smem:$0x3FD2] =	sst s25  }
0xac: {  	s5 =	sshll.u32 s26, $0x1;
	_ =	strace $0x80000046;
	[dreg:$0x1] =	wrdreg $0xFFFFFFFF  }
0xad: {  	s28 =	simm.s32 $_size_execute0_lowered;
	s3 =	sadd.s32 s3, s5;
	[dreg:$0x0] =	wrdreg $0x0  }
0xae: {  	s5 =	sshll.u32 s28, $0x1;
	[dreg:$0x2] =	wrdreg s3  }
0xaf: {  	[dreg:$0x3] =	wrdreg s5  }
0xb0: {  	[dreg:$0x4] =	wrdreg $0xC0  }
0xb1: {  	_ =	task [dreg:s7], $0x5FFFF  }
0xb2: {  	[dreg:$0x1] =	wrdreg $0xFFFFFFFF  }
0xb3: {  	[dreg:$0x0] =	wrdreg $0x60  }
0xb4: {  	[dreg:$0x2] =	wrdreg s16  }
0xb5: {  	[dreg:$0x3] =	wrdreg s24  }
0xb6: {  	[dreg:$0x4] =	wrdreg $0x9  }
0xb7: {  	_ =	task.clear_ibuf [dreg:s7], $0x5FFFF;
	_ =	strace $0x90000046  }
0xb8: {  	s29 =	simm.s32 $0x9;
	_ =	strace $0x80000048  }
0xb9: {  	_ =	swait.ge [sflag:s29], $0x1  }
0xba: {  	[sflag:s29] =	ssyncadd.s32 $0xFFFFFFFF  }
0xbb: {  	_ =	strace $0x90000048  }
0xbc: {  	_ =	sfence  }
0xbd: {  	s30 =	sld [smem:$0x0];
	_ =	sdelay $0x2  }
0xbe: {  	s31 =	sshll.u32 s1, $0xD;
	s1 =	sshrl.u32 s1, $0x2  }
0xbf: {  	s3 =	sand.u32 $0x4000, s31;
	s1 =	sadd.s32 s1, s30  }
0xc0: {  	s0 =	sor.u32 s3, s0;
	s1 =	sshll.u32 s1, $0x11  }
0xc1: {  	s0 =	sor.u32 s1, s0  }
0xc2: {  	s0 =	sadd.s32 $0x8F2B, s0  }
0xc3: {  	[sflag:s0] =	ssyncadd.remote.s32 $0x1  }
0xc4: {  	_ =	sfence.sel $0xFFFF  }
0xc5: {  	[dreg:$0x0] =	wrdreg $0xFFFFFFFF;
	(pc) =	sbr.abs _section_cstart, $3  }
0xc6: {  	[dreg:$0x1] =	wrdreg $0xFFFFFFFF  }
0xc7: {  	_ =	task.clear_ibuf [dreg:s7], $0x2FFFF;
	_ =	strace $0x9FFFFFFF  }
0xc8: {  	(tm) =	ssettm $0x7FFFFFFF  }
0xc9: {  	_ =	shalt  }
tec
execute0_lowered:
.L_overlay_start_1:
0x0: {  	(tag) =	ssettag $0x1  }
0x1: {  	s1 =	rddreg [dreg:$0x0]  }
0x2: {  	s6 =	rddreg [dreg:$0x1]  }
0x3: {  	s0 =	rddreg [dreg:$0x2];
	s2 =	simm.s32 $0x0  }
0x4: {  	s3 =	srdreg.scid;
	s10 =	simm.s32 $0x300;
	s11 =	simm.s32 $0x1  }
0x5: {  	s12 =	simm.s32 $0x8300;
	s13 =	simm.s32 $0x10300;
	s14 =	simm.s32 $0x0  }
0x6: {  	[smem:$0x7FF] =	sst s2;
	s7 =	sand.u32 $0x1, s3;
	s4 =	sadd.s32 $0x1000, s6  }
0x7: {  	s5 =	sadd.s32 $0x401000, s6;
	s3 =	stileid.u32;
	s8 =	ssub.s32 $0x2, s7  }
0x8: {  	v0 =	vlaneseq.u32;
	s6 =	sadd.s32 $0x801000, s6;
	_ =	strace $0x80000047;
	s9 =	sshrl.u32 s8, $0x1  }
0x9: {  	v1 =	vimm.f32 $0.0e+00;
	v2 =	vor.u32 $0x90, v0;
	v3 =	vor.u32 $0x110, v0;
	s31 =	sshll.u32 s3, $0x12;
	s7 =	sshll.u32 s7, $0x11;
	s8 =	ssub.s32 s8, s9  }
0xa: {  	v4 =	vor.u32 $0x190, v0;
	v5 =	vor.u32 $0x210, v0;
	v6 =	vor.u32 $0x220, v0;
	s7 =	sor.u32 s7, s31;
	s9 =	simm.s32 $0x2;
	s8 =	smax.u32 s8, $0x1  }
.LBB2_1:
0xb: {  	[tilespmem:s2], [sflag:$0x2] =	stream.linear.gather [hbm4b:s1+s2], $0x300, $0x38;
	[tilespmem:$0x18300] =	vst v63  }
0xc: {  	_ =	swait.ge [sflag:s9], $0x300  }
0xd: {  	[sflag:s9] =	ssyncset.done $0x0  }
0xe: {  	[sflag:s9] =	ssyncadd.s32 $0xFFFFFD00  }
0xf: {  	v7 =	vld [tilespmem:$0x10]  }
0x10: {  	v8 =	vld [tilespmem:$0x20]  }
0x11: {  	v9 =	vld [tilespmem:$0x30]  }
0x12: {  	v10 =	vld [tilespmem:$0x40]  }
0x13: {  	v11 =	vld [tilespmem:$0x50]  }
0x14: {  	v12 =	vld [tilespmem:$0x60]  }
0x15: {  	s15 =	simm.s32 $0x0;
	v13 =	vld [tilespmem:$0x70]  }
.LBB2_2:
0x16: {  	s16 =	sshll.u32 s15, $0xC  }
0x17: {  	s16 =	sadd.s32 s7, s16  }
0x18: {  	s17 =	sadd.s32 s4, s16  }
0x19: {  	[tilespmem:s10], [sflag:$0x1] =	stream.linear.gather [hbm4b:s17+s2], $0x8000, $0x38;
	[tilespmem:$0x18300] =	vst v63  }
0x1a: {  	_ =	swait.ge [sflag:s11], $0x8000  }
0x1b: {  	[sflag:s11] =	ssyncset.done $0x0  }
0x1c: {  	s31 =	simm.s32 $0x400;
	[sflag:s11] =	ssyncadd.s32 $0xFFFF8000  }
0x1d: {  	v17 =	vld [tilespmem:s31+$0x80]  }
0x1e: {  	v15 =	vld [tilespmem:s31+$0x0]  }
0x1f: {  	v16 =	vld [tilespmem:s31+$0xFFFFFF00];
	_ =	sdelay $0x2  }
0x20: {  	v18 =	vmax.f32 v17, $-3.000000000e+00  }
0x21: {  	v14 =	vld [tilespmem:s31+$0xFFFFFF80];
	v21 =	vmax.f32 v15, $-3.000000000e+00;
	v18 =	vmin.f32 v18, $3.000000000e+00  }
0x22: {  	v23 =	vmax.f32 v16, $-3.000000000e+00;
	vm0 =	vge.f32 v18, v7;
	vm1 =	vge.f32 v18, v8  }
0x23: {  	v23 =	vmin.f32 v23, $3.000000000e+00;
	v19 =	vsel vm0, $0x3F800000, v1;
	v20 =	vsel vm1, $0x3F800000, v1  }
0x24: {  	v26 =	vmin.f32 v21, $3.000000000e+00;
	vm0 =	vge.f32 v18, v9;
	v19 =	vadd.f32 v20, v19  }
0x25: {  	vm2 =	vge.f32 v23, v8;
	vm3 =	vge.f32 v18, v12;
	v22 =	vsel vm0, $0x3F800000, v1  }
0x26: {  	v20 =	vmax.f32 v14, $-3.000000000e+00;
	vm0 =	vge.f32 v18, v10;
	v19 =	vadd.f32 v19, v22  }
0x27: {  	vm5 =	vge.f32 v26, v7;
	v27 =	vmin.f32 v20, $3.000000000e+00;
	v20 =	vsel vm0, $0x3F800000, v1  }
0x28: {  	vm6 =	vge.f32 v18, v13;
	vm0 =	vge.f32 v18, v11;
	v19 =	vadd.f32 v19, v20  }
0x29: {  	vm1 =	vge.f32 v23, v7;
	v21 =	vsel vm2, $0x3F800000, v1;
	v20 =	vsel vm0, $0x3F800000, v1  }
0x2a: {  	vm4 =	vge.f32 v27, v8;
	v22 =	vsel vm6, $0x3F800000, v1;
	v19 =	vadd.f32 v19, v20  }
0x2b: {  	v25 =	vsel vm4, $0x3F800000, v1;
	vm0 =	vge.f32 v27, v7;
	v20 =	vsel vm3, $0x3F800000, v1  }
0x2c: {  	v24 =	vsel vm0, $0x3F800000, v1;
	vm3 =	vge.f32 v26, v8;
	v19 =	vadd.f32 v19, v20  }
0x2d: {  	vm0 =	vge.f32 v23, v9;
	v28 =	vsel vm3, $0x3F800000, v1;
	v20 =	vsel vm1, $0x3F800000, v1  }
0x2e: {  	vm1 =	vge.f32 v27, v9;
	v20 =	vadd.f32 v21, v20;
	v19 =	vadd.f32 v19, v22  }
0x2f: {  	v21 =	vadd.f32 v25, v24;
	v24 =	vsel vm0, $0x3F800000, v1;
	vm0 =	vge.f32 v26, v9  }
0x30: {  	v25 =	vsel vm1, $0x3F800000, v1;
	vm1 =	vge.f32 v27, v10;
	v19 =	vtrunc.f32 v19  }
0x31: {  	v22 =	vsel vm5, $0x3F800000, v1;
	v30 =	vsel vm1, $0x3F800000, v1;
	v19 =	vcvt.f32.s32 v19  }
0x32: {  	vm1 =	vge.f32 v27, v11;
	v22 =	vadd.f32 v28, v22;
	v28 =	vsel vm0, $0x3F800000, v1  }
0x33: {  	v20 =	vadd.f32 v20, v24;
	vm0 =	vge.f32 v23, v10;
	v19 =	vshll.u32 v19, $0x4  }
0x34: {  	v21 =	vadd.f32 v21, v25;
	v22 =	vadd.f32 v22, v28;
	v24 =	vadd.s32 v5, v19  }
0x35: {  	v28 =	vsel vm0, $0x3F800000, v1;
	vm0 =	vge.f32 v26, v10;
	v25 =	vor.u32 v0, v19  }
0x36: {  	v21 =	vadd.f32 v21, v30;
	v31 =	vsel vm0, $0x3F800000, v1;
	v29 =	vadd.s32 v2, v19  }
0x37: {  	v20 =	vadd.f32 v20, v28;
	vm0 =	vge.f32 v23, v11;
	v32 =	vadd.s32 v3, v19  }
0x38: {  	v22 =	vadd.f32 v22, v31;
	v31 =	vsel vm1, $0x3F800000, v1;
	v28 =	vadd.s32 v6, v19  }
0x39: {  	v30 =	vsel vm0, $0x3F800000, v1;
	vm1 =	vge.f32 v27, v12;
	v21 =	vadd.f32 v21, v31;
	v24 =	vld.idx.msk [tilespmem:v24+s2+$0x0], $0xffff  }
0x3a: {  	vm2 =	vge.f32 v26, v11;
	v20 =	vadd.f32 v20, v30;
	v31 =	vsel vm1, $0x3F800000, v1;
	v33 =	vld.idx.msk [tilespmem:v25+s2+$0x0], $0xffff  }
0x3b: {  	vm1 =	vge.f32 v27, v13;
	v21 =	vadd.f32 v21, v31;
	v25 =	vsel vm2, $0x3F800000, v1;
	v30 =	vld.idx.msk [tilespmem:v29+s2+$0x0], $0xffff  }
0x3c: {  	vm0 =	vge.f32 v23, v12;
	v31 =	vsel vm1, $0x3F800000, v1;
	v22 =	vadd.f32 v22, v25;
	v25 =	vld.idx.msk [tilespmem:v32+s2+$0x0], $0xffff  }
0x3d: {  	v21 =	vadd.f32 v21, v31;
	v29 =	vsel vm0, $0x3F800000, v1;
	v28 =	vld.idx.msk [tilespmem:v28+s2+$0x0], $0xffff  }
0x3e: {  	vm2 =	vge.f32 v26, v12;
	vm0 =	vge.f32 v23, v13;
	v20 =	vadd.f32 v20, v29  }
0x3f: {  	v29 =	vsel vm0, $0x3F800000, v1;
	v21 =	vtrunc.f32 v21;
	v18 =	vsub.f32 v18, v33  }
0x40: {  	v49 =	vsel vm2, $0x3F800000, v1;
	v21 =	vcvt.f32.s32 v21;
	v20 =	vadd.f32 v20, v29  }
0x41: {  	vm0 =	vge.f32 v26, v13;
	v29 =	vmul.f32 v25, v30;
	v18 =	vmul.f32 v18, v30  }
0x42: {  	v22 =	vadd.f32 v22, v49;
	v31 =	vadd.f32 v28, v24;
	v20 =	vtrunc.f32 v20  }
0x43: {  	v30 =	vsel vm0, $0x3F800000, v1;
	v51 =	vadd.f32 v29, v29;
	v50 =	vsub.f32 $1.000000000e+00, v18  }
0x44: {  	v34 =	vshll.u32 v21, $0x4;
	v20 =	vcvt.f32.s32 v20;
	v22 =	vadd.f32 v22, v30  }
0x45: {  	v40 =	vadd.s32 v2, v34;
	v31 =	vsub.f32 v31, v51;
	v30 =	vmul.f32 v50, v18  }
0x46: {  	v48 =	vadd.s32 v6, v34;
	v20 =	vshll.u32 v20, $0x4;
	v22 =	vtrunc.f32 v22  }
0x47: {  	v21 =	vor.u32 v0, v20;
	v22 =	vcvt.f32.s32 v22;
	v31 =	vmul.f32 v31, v30  }
0x48: {  	v45 =	vadd.s32 v6, v20  }
0x49: {  	v35 =	vshll.u32 v22, $0x4;
	v22 =	vor.u32 v0, v34;
	v31 =	vadd.f32 v31, v29  }
0x4a: {  	v36 =	vmul.f32 v18, v18;
	v52 =	vadd.s32 v5, v20;
	v40 =	vld.idx.msk [tilespmem:v40+s2+$0x0], $0xffff  }
0x4b: {  	v39 =	vand.u32 $0x7FFFFFFF, v14;
	v63 =	vld.idx.msk [tilespmem:v48+s2+$0x0], $0xffff;
	v18 =	vor.u32 v0, v35;
	(erf) = vrcp.f32 v31  }
0x4c: {  	v42 =	vadd.s32 v3, v34;
	v28 =	vmul.f32 v28, v36;
	v33 =	vmul.f32 v30, v51;
	v41 =	vld.idx.msk [tilespmem:v21+s2+$0x0], $0xffff  }
0x4d: {  	vm1 =	vle.f32 v39, $3.000000000e+00;
	v47 =	vadd.s32 v5, v34;
	v32 =	vmul.f32 v50, v50;
	v39 =	vld.idx.msk [tilespmem:v45+s2+$0x0], $0xffff  }
0x4e: {  	v21 =	vadd.f32 v33, v28;
	v28 =	vadd.s32 v2, v35;
	v43 =	vld.idx.msk [tilespmem:v22+s2+$0x0], $0xffff  }
0x4f: {  	v53 =	vadd.s32 v3, v35;
	v22 =	vmul.f32 v32, v24;
	v32 =	vld.idx.msk [tilespmem:v52+s2+$0x0], $0xffff  }
0x50: {  	v38 =	vand.u32 $0x7FFFFFFF, v16;
	v46 =	vmul.f32 v29, v29;
	v31 =	vadd.s32 v2, v20;
	v44 =	vld.idx.msk [tilespmem:v18+s2+$0x0], $0xffff  }
0x51: {  	v37 =	vadd.s32 v3, v20;
	v55 =	vsub.f32 v23, v41;
	v23 =	vld.idx.msk [tilespmem:v42+s2+$0x0], $0xffff;
	v22 =	vadd.f32 v21, v22  }
0x52: {  	v56 =	vand.u32 $0x7FFFFFFF, v15;
	v29 =	vmul.f32 v36, v29;
	v24 =	vmul.f32 v30, v24;
	v42 =	vld.idx.msk [tilespmem:v47+s2+$0x0], $0xffff  }
0x53: {  	v54 =	vadd.s32 v5, v35;
	v49 =	vadd.s32 v6, v35;
	v57 =	vld.idx.msk [tilespmem:v28+s2+$0x0], $0xffff;
	v46 =	vmul.f32 v22, v46  }
0x54: {  	v18 =	vadd.s32 v4, v20;
	v20 =	vadd.s32 v4, v35;
	v28 =	vld.idx.msk [tilespmem:v53+s2+$0x0], $0xffff;
	v24 =	vadd.f32 v24, v29;
	v35 =	vpop (erf)  }
0x55: {  	vm2 =	vle.f32 v56, $3.000000000e+00;
	vm0 =	vle.f32 v38, $3.000000000e+00;
	v31 =	vld.idx.msk [tilespmem:v31+s2+$0x0], $0xffff;
	v58 =	vmul.f32 v35, v46  }
0x56: {  	v21 =	vld.idx.msk [tilespmem:v37+s2+$0x0], $0xffff;
	v22 =	vadd.s32 v4, v34;
	v24 =	vmul.f32 v24, v25;
	v27 =	vsub.f32 v27, v43  }
0x57: {  	v51 =	vadd.f32 v39, v32;
	v26 =	vsub.f32 v26, v44;
	v34 =	vmul.f32 v58, v35  }
0x58: {  	v56 =	vadd.f32 v63, v42;
	v27 =	vmul.f32 v27, v40;
	v40 =	vmul.f32 v23, v40  }
0x59: {  	v38 =	vmul.f32 v28, v57;
	v26 =	vmul.f32 v26, v57;
	v62 =	vand.u32 $0x7FFFFF, v34  }
0x5a: {  	v59 =	vmul.f32 v55, v31;
	v60 =	vsub.f32 $1.000000000e+00, v27;
	v44 =	vor.u32 $0x3F800000, v62  }
0x5b: {  	v31 =	vmul.f32 v21, v31;
	v61 =	vadd.f32 v40, v40;
	v44 =	vadd.f32 $-1.000000000e+00, v44  }
0x5c: {  	v24 =	vmul.f32 v35, v24;
	v50 =	vsub.f32 $1.000000000e+00, v26;
	v57 =	vmul.f32 v26, v26  }
0x5d: {  	v49 =	vld.idx.msk [tilespmem:v49+s2+$0x0], $0xffff;
	v41 =	vsub.f32 $1.000000000e+00, v59;
	v47 =	vmul.f32 v59, v59;
	v53 =	vmul.f32 $1.720806020e-02, v44  }
0x5e: {  	v37 =	vld.idx.msk [tilespmem:v54+s2+$0x0], $0xffff;
	v43 =	vadd.f32 v31, v31;
	v52 =	vmul.f32 v60, v27;
	v27 =	vmul.f32 v27, v27  }
0x5f: {  	v46 =	vmul.f32 v60, v60;
	v55 =	vmul.f32 v50, v26;
	v53 =	vsub.f32 $8.172681180e-02, v53  }
0x60: {  	v33 =	vmul.f32 v41, v59;
	v51 =	vsub.f32 v51, v43;
	v48 =	vmul.f32 v52, v61  }
0x61: {  	v26 =	vsub.f32 v56, v61;
	v39 =	vmul.f32 v39, v47;
	v53 =	vmul.f32 v53, v44  }
0x62: {  	v54 =	vadd.f32 v38, v38;
	v41 =	vmul.f32 v41, v41;
	v51 =	vmul.f32 v51, v33  }
0x63: {  	v62 =	vadd.f32 v49, v37;
	v26 =	vmul.f32 v26, v52;
	v53 =	vadd.f32 $-1.887826770e-01, v53  }
0x64: {  	v63 =	vmul.f32 v63, v27;
	v58 =	vmul.f32 v46, v42;
	v51 =	vadd.f32 v51, v31  }
0x65: {  	v56 =	vsub.f32 v62, v54;
	v26 =	vadd.f32 v26, v40;
	v53 =	vmul.f32 v53, v44  }
0x66: {  	v19 =	vadd.s32 v4, v19;
	v59 =	vmul.f32 v31, v31;
	(erf) = vrcp.f32 v51  }
0x67: {  	v56 =	vmul.f32 v56, v55;
	(erf) = vrcp.f32 v26;
	v26 =	vadd.f32 $3.145905440e-01, v53  }
0x68: {  	v61 =	vmul.f32 v40, v40;
	v45 =	vmul.f32 v52, v42  }
0x69: {  	v49 =	vmul.f32 v49, v57;
	v53 =	vadd.f32 v56, v38;
	v26 =	vmul.f32 v26, v44  }
0x6a: {  	v29 =	vshrl.u32 v34, $0x17;
	v43 =	vmul.f32 v33, v43;
	v41 =	vmul.f32 v41, v32  }
0x6b: {  	v32 =	vmul.f32 v33, v32;
	(erf) = vrcp.f32 v53;
	v26 =	vadd.f32 $-4.969779250e-01, v26  }
0x6c: {  	v54 =	vmul.f32 v55, v54;
	v62 =	vld.idx.msk [tilespmem:v19+s2+$0x0], $0xffff;
	v19 =	vand.u32 $0xFF, v29;
	v39 =	vadd.f32 v43, v39  }
0x6d: {  	v19 =	vadd.s32 $0xFFFFFF81, v19;
	v56 =	vmul.f32 v50, v50;
	v26 =	vmul.f32 v26, v44  }
0x6e: {  	v43 =	vadd.f32 v48, v63;
	v49 =	vadd.f32 v54, v49;
	v19 =	vcvt.s32.f32 v19  }
0x6f: {  	v60 =	vadd.f32 v39, v41;
	v30 =	vmul.f32 v56, v37;
	v26 =	vadd.f32 $9.997924560e-01, v26  }
0x70: {  	v29 =	vmul.f32 v38, v38;
	v40 =	vmul.f32 v27, v40;
	v25 =	vadd.f32 v43, v58  }
0x71: {  	v36 =	vmul.f32 v60, v59;
	v30 =	vadd.f32 v49, v30;
	v26 =	vmul.f32 v26, v44  }
0x72: {  	vm1 =	vmmov vm1;
	v63 =	vmul.f32 $6.931471820e-01, v19;
	v25 =	vmul.f32 v25, v61;
	v35 =	vpop (erf)  }
0x73: {  	v19 =	vpop (erf);
	v29 =	vmul.f32 v30, v29;
	v30 =	vmul.f32 v35, v36;
	v26 =	vadd.f32 $3.507552040e-06, v26  }
0x74: {  	v31 =	vmul.f32 v47, v31;
	v43 =	vadd.f32 v24, v62;
	v25 =	vmul.f32 v19, v25;
	v24 =	vpop (erf)  }
0x75: {  	v30 =	vmul.f32 v30, v35;
	v34 =	vadd.f32 v26, v63;
	v26 =	vmul.f32 v24, v29  }
0x76: {  	vm2 =	vmmov vm2;
	v31 =	vadd.f32 v32, v31;
	v25 =	vmul.f32 v25, v19  }
0x77: {  	v33 =	vadd.f32 v45, v40;
	v29 =	vand.u32 $0x7FFFFF, v30;
	v46 =	vmul.f32 v26, v24  }
0x78: {  	v61 =	vmul.f32 v31, v21;
	v26 =	vor.u32 $0x3F800000, v29;
	v29 =	vand.u32 $0x7FFFFF, v25  }
0x79: {  	v26 =	vadd.f32 $-1.000000000e+00, v26;
	v29 =	vor.u32 $0x3F800000, v29;
	v48 =	vand.u32 $0x7FFFFF, v46  }
0x7a: {  	v31 =	vmul.f32 v33, v23;
	v29 =	vadd.f32 $-1.000000000e+00, v29;
	v39 =	vor.u32 $0x3F800000, v48  }
0x7b: {  	v38 =	vmul.f32 v57, v38;
	v49 =	vmul.f32 $1.720806020e-02, v26;
	v27 =	vadd.f32 $-1.000000000e+00, v39  }
0x7c: {  	vm0 =	vmmov vm0;
	v37 =	vmul.f32 v55, v37;
	v50 =	vmul.f32 $1.720806020e-02, v29  }
0x7d: {  	v44 =	vand.u32 $0x7FFFFFFF, v17;
	v41 =	vsub.f32 $8.172681180e-02, v49;
	v51 =	vmul.f32 $1.720806020e-02, v27  }
0x7e: {  	v37 =	vadd.f32 v37, v38;
	vm3 =	vle.f32 v44, $3.000000000e+00;
	v39 =	vsub.f32 $8.172681180e-02, v50  }
0x7f: {  	v30 =	vshrl.u32 v30, $0x17;
	v41 =	vmul.f32 v41, v26;
	v42 =	vsub.f32 $8.172681180e-02, v51  }
0x80: {  	v30 =	vand.u32 $0xFF, v30;
	v25 =	vshrl.u32 v25, $0x17;
	v52 =	vmul.f32 v39, v29  }
0x81: {  	v30 =	vadd.s32 $0xFFFFFF81, v30;
	v53 =	vadd.f32 $-1.887826770e-01, v41;
	v54 =	vmul.f32 v42, v27  }
0x82: {  	v25 =	vand.u32 $0xFF, v25;
	v57 =	vcvt.s32.f32 v30;
	v32 =	vadd.f32 $-1.887826770e-01, v52  }
0x83: {  	v36 =	vshrl.u32 v46, $0x17;
	v55 =	vmul.f32 v53, v26;
	v56 =	vadd.f32 $-1.887826770e-01, v54  }
0x84: {  	v25 =	vadd.s32 $0xFFFFFF81, v25;
	v36 =	vand.u32 $0xFF, v36;
	v30 =	vmul.f32 v32, v29  }
0x85: {  	v25 =	vcvt.s32.f32 v25;
	v59 =	vadd.f32 $3.145905440e-01, v55;
	v60 =	vmul.f32 v56, v27  }
0x86: {  	v17 =	vsel vm3, v43, v17;
	v58 =	vadd.s32 $0xFFFFFF81, v36;
	v21 =	vadd.f32 $3.145905440e-01, v30  }
0x87: {  	v25 =	vmul.f32 $6.931471820e-01, v25;
	v36 =	vmul.f32 v59, v26;
	v23 =	vadd.f32 $3.145905440e-01, v60  }
0x88: {  	v34 =	vnsel vm3, $0x0, v34;
	v32 =	vcvt.s32.f32 v58;
	v62 =	vmul.f32 v21, v29  }
0x89: {  	s17 =	simm.s32 $0x8400;
	v30 =	vmul.f32 v37, v28;
	v21 =	vld.idx.msk [tilespmem:v18+s2+$0x0], $0xffff;
	v36 =	vadd.f32 $-4.969779250e-01, v36;
	v63 =	vmul.f32 v23, v27  }
0x8a: {  	s18 =	simm.s32 $0x10400;
	[tilespmem:s17+$0x80] =	vst v17;
	v28 =	vmul.f32 $6.931471820e-01, v57;
	v18 =	vmul.f32 $6.931471820e-01, v32;
	v23 =	vld.idx.msk [tilespmem:v22+s2+$0x0], $0xffff;
	v33 =	vadd.f32 $-4.969779250e-01, v62  }
0x8b: {  	s19 =	simm.s32 $0x0;
	s20 =	simm.s32 $0x600;
	[tilespmem:s18+$0x80] =	vst v34;
	v32 =	vmul.f32 v35, v61;
	v22 =	vld.idx.msk [tilespmem:v20+s2+$0x0], $0xffff;
	v35 =	vmul.f32 v36, v26;
	v34 =	vadd.f32 $-4.969779250e-01, v63  }
.LBB2_3:
0x8c: {  	v17 =	vld [tilespmem:s20+$0x80];
	v31 =	vmul.f32 v19, v31;
	v33 =	vmul.f32 v33, v29  }
0x8d: {  	s19 =	sadd.s32 $0x4, s19;
	v24 =	vmul.f32 v24, v30;
	v20 =	vld [tilespmem:s20+$0xFFFFFF80];
	v35 =	vadd.f32 $9.997924560e-01, v35;
	v30 =	vmul.f32 v34, v27  }
0x8e: {  	p0 =	slt.u32 s19, $0xFC;
	v32 =	vadd.f32 v32, v21;
	v19 =	vld [tilespmem:s20+$0x0];
	v33 =	vadd.f32 $9.997924560e-01, v33  }
0x8f: {  	v21 =	vadd.f32 v31, v23;
	v36 =	vld [tilespmem:s20+$0xFFFFFF00];
	v26 =	vmul.f32 v35, v26;
	v23 =	vadd.f32 $9.997924560e-01, v30  }
0x90: {  	v22 =	vadd.f32 v24, v22;
	v16 =	vsel vm0, v32, v16;
	v29 =	vmul.f32 v33, v29  }
0x91: {  	v24 =	vmax.f32 v17, $-3.000000000e+00;
	v32 =	vadd.f32 $3.507552040e-06, v26;
	[tilespmem:s17+$0xFFFFFF00] =	vst v16;
	v34 =	vmul.f32 v23, v27  }
0x92: {  	v23 =	vmax.f32 v20, $-3.000000000e+00;
	v31 =	vmin.f32 v24, $3.000000000e+00;
	v33 =	vadd.f32 $3.507552040e-06, v29  }
0x93: {  	v24 =	vmax.f32 v19, $-3.000000000e+00;
	vm3 =	vge.f32 v31, v7;
	vm4 =	vge.f32 v31, v8  }
0x94: {  	v26 =	vmax.f32 v36, $-3.000000000e+00;
	v27 =	vsel vm3, $0x3F800000, v1;
	v29 =	vsel vm4, $0x3F800000, v1;
	v16 =	vmovc v36  }
0x95: {  	vm3 =	vge.f32 v31, v9;
	v30 =	vmin.f32 v26, $3.000000000e+00;
	v26 =	vadd.f32 v29, v27  }
0x96: {  	v29 =	vmin.f32 v23, $3.000000000e+00;
	v23 =	vmin.f32 v24, $3.000000000e+00;
	v24 =	vsel vm3, $0x3F800000, v1  }
0x97: {  	vm4 =	vge.f32 v31, v10;
	vm3 =	vge.f32 v30, v7;
	v24 =	vadd.f32 v26, v24  }
0x98: {  	vm5 =	vge.f32 v30, v8;
	vm6 =	vge.f32 v29, v7;
	v26 =	vsel vm4, $0x3F800000, v1  }
0x99: {  	vm7 =	vge.f32 v31, v11;
	vm4 =	vge.f32 v29, v8;
	v24 =	vadd.f32 v24, v26  }
0x9a: {  	vm8 =	vge.f32 v23, v7;
	vm9 =	vge.f32 v23, v8;
	v26 =	vsel vm7, $0x3F800000, v1  }
0x9b: {  	v27 =	vsel vm3, $0x3F800000, v1;
	vm3 =	vge.f32 v31, v12;
	v24 =	vadd.f32 v24, v26  }
0x9c: {  	v35 =	vsel vm6, $0x3F800000, v1;
	v36 =	vsel vm3, $0x3F800000, v1;
	v26 =	vsel vm5, $0x3F800000, v1  }
0x9d: {  	v37 =	vsel vm4, $0x3F800000, v1;
	vm3 =	vge.f32 v31, v13;
	v24 =	vadd.f32 v24, v36  }
0x9e: {  	v38 =	vsel vm9, $0x3F800000, v1;
	v39 =	vsel vm3, $0x3F800000, v1;
	v36 =	vsel vm8, $0x3F800000, v1  }
0x9f: {  	vm3 =	vge.f32 v30, v9;
	v26 =	vadd.f32 v26, v27;
	v24 =	vadd.f32 v24, v39  }
0xa0: {  	vm4 =	vge.f32 v29, v9;
	v27 =	vadd.f32 v37, v35;
	v35 =	vadd.f32 v38, v36  }
0xa1: {  	v36 =	vsel vm3, $0x3F800000, v1;
	vm3 =	vge.f32 v23, v9;
	v24 =	vtrunc.f32 v24  }
0xa2: {  	v37 =	vsel vm4, $0x3F800000, v1;
	v38 =	vsel vm3, $0x3F800000, v1;
	v24 =	vcvt.f32.s32 v24  }
0xa3: {  	v27 =	vadd.f32 v27, v37;
	v26 =	vadd.f32 v26, v36;
	vm3 =	vge.f32 v30, v10  }
0xa4: {  	vm4 =	vge.f32 v29, v10;
	v35 =	vadd.f32 v35, v38;
	v24 =	vshll.u32 v24, $0x4  }
0xa5: {  	v36 =	vsel vm3, $0x3F800000, v1;
	vm3 =	vge.f32 v23, v10;
	v37 =	vadd.s32 v5, v24  }
0xa6: {  	v38 =	vsel vm4, $0x3F800000, v1;
	v39 =	vsel vm3, $0x3F800000, v1;
	v40 =	vor.u32 v0, v24  }
0xa7: {  	v26 =	vadd.f32 v26, v36;
	v36 =	vadd.f32 v27, v38;
	v38 =	vadd.s32 v2, v24  }
0xa8: {  	vm3 =	vge.f32 v30, v11;
	v35 =	vadd.f32 v35, v39;
	v39 =	vadd.s32 v3, v24  }
0xa9: {  	vm5 =	vge.f32 v23, v11;
	vm4 =	vge.f32 v29, v11;
	v41 =	vadd.s32 v6, v24  }
0xaa: {  	v44 =	vsel vm5, $0x3F800000, v1;
	v43 =	vsel vm4, $0x3F800000, v1;
	v42 =	vsel vm3, $0x3F800000, v1;
	v27 =	vld.idx.msk [tilespmem:v37+s2+$0x0], $0xffff  }
0xab: {  	vm3 =	vge.f32 v30, v12;
	v36 =	vadd.f32 v36, v43;
	v37 =	vadd.f32 v26, v42;
	v40 =	vld.idx.msk [tilespmem:v40+s2+$0x0], $0xffff  }
0xac: {  	vm5 =	vge.f32 v23, v12;
	vm4 =	vge.f32 v29, v12;
	v35 =	vadd.f32 v35, v44;
	v38 =	vld.idx.msk [tilespmem:v38+s2+$0x0], $0xffff  }
0xad: {  	v43 =	vsel vm4, $0x3F800000, v1;
	v44 =	vsel vm5, $0x3F800000, v1;
	v42 =	vsel vm3, $0x3F800000, v1;
	v26 =	vld.idx.msk [tilespmem:v39+s2+$0x0], $0xffff  }
0xae: {  	v36 =	vadd.f32 v36, v43;
	vm3 =	vge.f32 v30, v13;
	v37 =	vadd.f32 v37, v42;
	v39 =	vld.idx.msk [tilespmem:v41+s2+$0x0], $0xffff  }
0xaf: {  	vm4 =	vge.f32 v29, v13;
	vm5 =	vge.f32 v23, v13;
	v35 =	vadd.f32 v35, v44  }
0xb0: {  	v43 =	vsel vm5, $0x3F800000, v1;
	v42 =	vsel vm4, $0x3F800000, v1;
	v41 =	vsel vm3, $0x3F800000, v1  }
0xb1: {  	v37 =	vadd.f32 v37, v41;
	v41 =	vand.u32 $0x7FFFFFFF, v16;
	v40 =	vsub.f32 v31, v40  }
0xb2: {  	v35 =	vadd.f32 v35, v43;
	v36 =	vadd.f32 v36, v42;
	v42 =	vand.u32 $0x7FFFFFFF, v20  }
0xb3: {  	v34 =	vadd.f32 $3.507552040e-06, v34;
	v31 =	vmul.f32 v26, v38;
	v38 =	vmul.f32 v40, v38  }
0xb4: {  	v36 =	vtrunc.f32 v36;
	v37 =	vtrunc.f32 v37;
	v40 =	vadd.f32 v39, v27  }
0xb5: {  	v35 =	vtrunc.f32 v35;
	v43 =	vsub.f32 $1.000000000e+00, v38;
	v44 =	vadd.f32 v31, v31  }
0xb6: {  	v28 =	vadd.f32 v32, v28;
	v36 =	vcvt.f32.s32 v36;
	v37 =	vcvt.f32.s32 v37  }
0xb7: {  	v35 =	vcvt.f32.s32 v35;
	v32 =	vmul.f32 v43, v38;
	v40 =	vsub.f32 v40, v44  }
0xb8: {  	v45 =	vadd.f32 v33, v25;
	v36 =	vshll.u32 v36, $0x4;
	v37 =	vshll.u32 v37, $0x4  }
0xb9: {  	v35 =	vshll.u32 v35, $0x4;
	v25 =	vor.u32 v0, v37;
	v33 =	vmul.f32 v40, v32  }
0xba: {  	v47 =	vor.u32 v0, v35;
	v46 =	vor.u32 v0, v36;
	v40 =	vadd.s32 v2, v37  }
0xbb: {  	v49 =	vadd.s32 v2, v36;
	v48 =	vadd.s32 v3, v37;
	v50 =	vadd.f32 v33, v31  }
0xbc: {  	v52 =	vadd.s32 v2, v35;
	v51 =	vadd.s32 v3, v36;
	v33 =	vmul.f32 v38, v38  }
0xbd: {  	v53 =	vadd.s32 v5, v37;
	v38 =	vadd.s32 v3, v35;
	(erf) = vrcp.f32 v50  }
0xbe: {  	v55 =	vadd.s32 v5, v36;
	v54 =	vadd.s32 v6, v37;
	v50 =	vld.idx.msk [tilespmem:v25+s2+$0x0], $0xffff;
	v25 =	vmul.f32 v39, v33  }
0xbf: {  	v43 =	vmul.f32 v43, v43;
	v44 =	vmul.f32 v32, v44;
	v39 =	vld.idx.msk [tilespmem:v46+s2+$0x0], $0xffff;
	v46 =	vadd.s32 v6, v36  }
0xc0: {  	v57 =	vadd.s32 v6, v35;
	v56 =	vadd.s32 v4, v37;
	v37 =	vld.idx.msk [tilespmem:v47+s2+$0x0], $0xffff;
	v47 =	vadd.s32 v5, v35  }
0xc1: {  	v58 =	vadd.s32 v4, v36;
	v43 =	vmul.f32 v43, v27;
	v36 =	vadd.f32 v44, v25;
	v40 =	vld.idx.msk [tilespmem:v40+s2+$0x0], $0xffff  }
0xc2: {  	v34 =	vadd.f32 v34, v18;
	v44 =	vadd.s32 v4, v35;
	v35 =	vand.u32 $0x7FFFFFFF, v19;
	v25 =	vld.idx.msk [tilespmem:v48+s2+$0x0], $0xffff  }
0xc3: {  	vm5 =	vle.f32 v41, $3.000000000e+00;
	v48 =	vmul.f32 v31, v31;
	v36 =	vadd.f32 v36, v43;
	v41 =	vld.idx.msk [tilespmem:v49+s2+$0x0], $0xffff  }
0xc4: {  	vm4 =	vle.f32 v42, $3.000000000e+00;
	vm3 =	vle.f32 v35, $3.000000000e+00;
	v30 =	vsub.f32 v30, v50;
	v18 =	vld.idx.msk [tilespmem:v51+s2+$0x0], $0xffff  }
0xc5: {  	v35 =	vsub.f32 v29, v39;
	v29 =	vmul.f32 v36, v48;
	v36 =	vnsel vm0, $0x0, v28;
	v39 =	vld.idx.msk [tilespmem:v52+s2+$0x0], $0xffff  }
0xc6: {  	v42 =	vnsel vm2, $0x0, v34;
	v23 =	vsub.f32 v23, v37;
	v37 =	vnsel vm1, $0x0, v45;
	v28 =	vld.idx.msk [tilespmem:v38+s2+$0x0], $0xffff;
	v38 =	vpop (erf);
	[tilespmem:s18+$0xFFFFFF00] =	vst v36  }
0xc7: {  	v21 =	vsel vm1, v21, v14;
	v43 =	vmul.f32 v30, v40;
	v34 =	vld.idx.msk [tilespmem:v53+s2+$0x0], $0xffff;
	v30 =	vmul.f32 v38, v29  }
0xc8: {  	v15 =	vsel vm2, v22, v15;
	v14 =	vmov v20;
	v29 =	vmul.f32 v25, v40;
	v45 =	vld.idx.msk [tilespmem:v54+s2+$0x0], $0xffff;
	[tilespmem:s17+$0xFFFFFF80] =	vst v21  }
0xc9: {  	v40 =	vsub.f32 $1.000000000e+00, v43;
	v48 =	vmul.f32 v35, v41;
	v36 =	vld.idx.msk [tilespmem:v55+s2+$0x0], $0xffff;
	v49 =	vmul.f32 v30, v38;
	[tilespmem:s18+$0xFFFFFF80] =	vst v37  }
0xca: {  	v30 =	vmul.f32 v43, v43;
	v50 =	vadd.f32 v29, v29;
	v20 =	vmul.f32 v18, v41;
	v46 =	vld.idx.msk [tilespmem:v46+s2+$0x0], $0xffff  }
0xcb: {  	v41 =	vsub.f32 $1.000000000e+00, v48;
	v37 =	vld.idx.msk [tilespmem:v47+s2+$0x0], $0xffff;
	v47 =	vmul.f32 v23, v39;
	v21 =	vand.u32 $0x7FFFFF, v49;
	[tilespmem:s17+$0x0] =	vst v15;
	v15 =	vmovc v19  }
0xcc: {  	v19 =	vadd.f32 v20, v20;
	v35 =	vmul.f32 v28, v39;
	v51 =	vld.idx.msk [tilespmem:v57+s2+$0x0], $0xffff;
	v22 =	vor.u32 $0x3F800000, v21;
	[tilespmem:s18+$0x0] =	vst v42  }
0xcd: {  	v39 =	vmul.f32 v40, v43;
	v21 =	vld.idx.msk [tilespmem:v56+s2+$0x0], $0xffff;
	v42 =	vsub.f32 $1.000000000e+00, v47;
	v43 =	vadd.f32 $-1.000000000e+00, v22  }
0xce: {  	v53 =	vmul.f32 v41, v48;
	v52 =	vadd.f32 v45, v34;
	v54 =	vadd.f32 v35, v35;
	v23 =	vld.idx.msk [tilespmem:v58+s2+$0x0], $0xffff  }
0xcf: {  	vm0 =	vmmov vm5;
	v22 =	vld.idx.msk [tilespmem:v44+s2+$0x0], $0xffff;
	v44 =	vmul.f32 v42, v47;
	v55 =	vmul.f32 $1.720806020e-02, v43  }
0xd0: {  	v48 =	vmul.f32 v48, v48;
	v52 =	vsub.f32 v52, v50;
	v56 =	vadd.f32 v46, v36  }
0xd1: {  	v50 =	vmul.f32 v39, v50;
	v47 =	vmul.f32 v47, v47;
	v55 =	vsub.f32 $8.172681180e-02, v55  }
0xd2: {  	v52 =	vmul.f32 v52, v39;
	v56 =	vsub.f32 v56, v19;
	v57 =	vadd.f32 v51, v37  }
0xd3: {  	vm1 =	vmmov vm4;
	v19 =	vmul.f32 v53, v19;
	v55 =	vmul.f32 v55, v43  }
0xd4: {  	v52 =	vadd.f32 v52, v29;
	v56 =	vmul.f32 v56, v53;
	v57 =	vsub.f32 v57, v54  }
0xd5: {  	v45 =	vmul.f32 v45, v30;
	v54 =	vmul.f32 v44, v54;
	v55 =	vadd.f32 $-1.887826770e-01, v55  }
0xd6: {  	v56 =	vadd.f32 v56, v20;
	v57 =	vmul.f32 v57, v44;
	(erf) = vrcp.f32 v52  }
0xd7: {  	v40 =	vmul.f32 v40, v40;
	v45 =	vadd.f32 v50, v45;
	v50 =	vmul.f32 v55, v43  }
0xd8: {  	v46 =	vmul.f32 v46, v48;
	v52 =	vadd.f32 v57, v35;
	(erf) = vrcp.f32 v56  }
0xd9: {  	v41 =	vmul.f32 v41, v41;
	v51 =	vmul.f32 v51, v47;
	v50 =	vadd.f32 $3.145905440e-01, v50  }
0xda: {  	v42 =	vmul.f32 v42, v42;
	v19 =	vadd.f32 v19, v46;
	(erf) = vrcp.f32 v52  }
0xdb: {  	v24 =	vadd.s32 v4, v24;
	v46 =	vadd.f32 v54, v51;
	v50 =	vmul.f32 v50, v43  }
0xdc: {  	vm2 =	vmmov vm3;
	v40 =	vmul.f32 v40, v34;
	v52 =	vmul.f32 v41, v36  }
0xdd: {  	v42 =	vmul.f32 v42, v37;
	v51 =	vmul.f32 v29, v29;
	v50 =	vadd.f32 $-4.969779250e-01, v50  }
0xde: {  	v27 =	vmul.f32 v32, v27;
	v31 =	vmul.f32 v33, v31;
	v40 =	vadd.f32 v45, v40  }
0xdf: {  	v33 =	vadd.f32 v46, v42;
	v32 =	vadd.f32 v19, v52;
	v50 =	vmul.f32 v50, v43;
	v41 =	vpop (erf)  }
0xe0: {  	v42 =	vmul.f32 v20, v20;
	v52 =	vadd.f32 v27, v31;
	v27 =	vshrl.u32 v49, $0x17;
	v45 =	vld.idx.msk [tilespmem:v24+s2+$0x0], $0xffff  }
0xe1: {  	v31 =	vmul.f32 v35, v35;
	v27 =	vand.u32 $0xFF, v27;
	v46 =	vadd.f32 $9.997924560e-01, v50;
	v19 =	vpop (erf)  }
0xe2: {  	v40 =	vmul.f32 v40, v51;
	v26 =	vmul.f32 v52, v26;
	v49 =	vadd.s32 $0xFFFFFF81, v27  }
0xe3: {  	v27 =	vmul.f32 v46, v43;
	v43 =	vcvt.s32.f32 v49;
	v24 =	vpop (erf)  }
0xe4: {  	v32 =	vmul.f32 v32, v42;
	v26 =	vmul.f32 v38, v26  }
0xe5: {  	v31 =	vmul.f32 v33, v31;
	v27 =	vadd.f32 $3.507552040e-06, v27;
	v33 =	vmul.f32 $6.931471820e-01, v43  }
0xe6: {  	v38 =	vmul.f32 v41, v40;
	v40 =	vand.u32 $0x7FFFFFFF, v17;
	v26 =	vadd.f32 v26, v45  }
0xe7: {  	vm3 =	vle.f32 v40, $3.000000000e+00;
	v32 =	vmul.f32 v19, v32;
	v27 =	vadd.f32 v27, v33  }
0xe8: {  	s17 =	sadd.s32 $0x200, s17;
	v31 =	vmul.f32 v24, v31;
	v33 =	vmul.f32 v38, v41;
	v17 =	vsel vm3, v26, v17  }
0xe9: {  	s18 =	sadd.s32 $0x200, s18;
	v34 =	vmul.f32 v39, v34;
	v32 =	vmul.f32 v32, v19;
	[tilespmem:s17+$0x80] =	vst v17;
	v17 =	vnsel vm3, $0x0, v27  }
0xea: {  	v36 =	vmul.f32 v53, v36;
	v31 =	vmul.f32 v31, v24;
	v26 =	vand.u32 $0x7FFFFF, v33;
	[tilespmem:s18+$0x80] =	vst v17  }
0xeb: {  	v37 =	vmul.f32 v44, v37;
	v27 =	vand.u32 $0x7FFFFF, v32;
	v17 =	vor.u32 $0x3F800000, v26  }
0xec: {  	v26 =	vadd.f32 $-1.000000000e+00, v17;
	v17 =	vor.u32 $0x3F800000, v27;
	v27 =	vand.u32 $0x7FFFFF, v31  }
0xed: {  	v30 =	vmul.f32 v30, v29;
	v29 =	vadd.f32 $-1.000000000e+00, v17;
	v17 =	vor.u32 $0x3F800000, v27  }
0xee: {  	v20 =	vmul.f32 v48, v20;
	v38 =	vmul.f32 $1.720806020e-02, v26;
	v27 =	vadd.f32 $-1.000000000e+00, v17  }
0xef: {  	v35 =	vmul.f32 v47, v35;
	v17 =	vshrl.u32 v33, $0x17;
	v33 =	vmul.f32 $1.720806020e-02, v29  }
0xf0: {  	v32 =	vshrl.u32 v32, $0x17;
	v38 =	vsub.f32 $8.172681180e-02, v38;
	v39 =	vmul.f32 $1.720806020e-02, v27  }
0xf1: {  	v31 =	vshrl.u32 v31, $0x17;
	v17 =	vand.u32 $0xFF, v17;
	v33 =	vsub.f32 $8.172681180e-02, v33  }
0xf2: {  	v32 =	vand.u32 $0xFF, v32;
	v38 =	vmul.f32 v38, v26;
	v39 =	vsub.f32 $8.172681180e-02, v39  }
0xf3: {  	v30 =	vadd.f32 v34, v30;
	v31 =	vand.u32 $0xFF, v31;
	v33 =	vmul.f32 v33, v29  }
0xf4: {  	v20 =	vadd.f32 v36, v20;
	v34 =	vadd.f32 $-1.887826770e-01, v38;
	v36 =	vmul.f32 v39, v27  }
0xf5: {  	v35 =	vadd.f32 v37, v35;
	v17 =	vadd.s32 $0xFFFFFF81, v17;
	v33 =	vadd.f32 $-1.887826770e-01, v33  }
0xf6: {  	v32 =	vadd.s32 $0xFFFFFF81, v32;
	v34 =	vmul.f32 v34, v26;
	v36 =	vadd.f32 $-1.887826770e-01, v36  }
0xf7: {  	v31 =	vadd.s32 $0xFFFFFF81, v31;
	v17 =	vcvt.s32.f32 v17;
	v33 =	vmul.f32 v33, v29  }
0xf8: {  	v32 =	vcvt.s32.f32 v32;
	v34 =	vadd.f32 $3.145905440e-01, v34;
	v36 =	vmul.f32 v36, v27  }
0xf9: {  	v37 =	vmul.f32 v30, v25;
	v38 =	vcvt.s32.f32 v31;
	v25 =	vadd.f32 $3.145905440e-01, v33  }
.Ltmp0:
0xfa: {  	v31 =	vmul.f32 v20, v18;
	v33 =	vmul.f32 v34, v26;
	v18 =	vadd.f32 $3.145905440e-01, v36;
	(pc) =	sbr.rel @p0 .LBB2_3-.Ltmp0, $4  }
0xfb: {  	v30 =	vmul.f32 v35, v28;
	v20 =	vmul.f32 v25, v29  }
0xfc: {  	v28 =	vmul.f32 $6.931471820e-01, v17;
	v34 =	vadd.f32 $-4.969779250e-01, v33;
	v17 =	vmul.f32 v18, v27  }
0xfd: {  	v25 =	vmul.f32 $6.931471820e-01, v32;
	v18 =	vmul.f32 $6.931471820e-01, v38;
	v33 =	vadd.f32 $-4.969779250e-01, v20  }
0xfe: {  	s20 =	sadd.s32 $0x200, s20;
	v32 =	vmul.f32 v41, v37;
	v35 =	vmul.f32 v34, v26;
	v34 =	vadd.f32 $-4.969779250e-01, v17  }
0xff: {  	v17 =	vmul.f32 v33, v29  }
0x100: {  	v20 =	vadd.f32 $9.997924560e-01, v35;
	v60 =	vmul.f32 v34, v27  }
0x101: {  	v17 =	vadd.f32 $9.997924560e-01, v17  }
0x102: {  	v19 =	vmul.f32 v19, v31;
	v20 =	vmul.f32 v20, v26;
	v61 =	vadd.f32 $9.997924560e-01, v60  }
0x103: {  	v24 =	vmul.f32 v24, v30;
	v21 =	vadd.f32 v32, v21;
	v17 =	vmul.f32 v17, v29  }
0x104: {  	v19 =	vadd.f32 v19, v23;
	v20 =	vadd.f32 $3.507552040e-06, v20;
	v26 =	vmul.f32 v61, v27  }
0x105: {  	v63 =	vadd.f32 v24, v22;
	v16 =	vsel vm0, v21, v16;
	v17 =	vadd.f32 $3.507552040e-06, v17  }
0x106: {  	[tilespmem:s17+$0xFFFFFF00] =	vst v16;
	v14 =	vsel vm1, v19, v14;
	v20 =	vadd.f32 v20, v28;
	v62 =	vadd.f32 $3.507552040e-06, v26  }
0x107: {  	[tilespmem:s17+$0xFFFFFF80] =	vst v14;
	v14 =	vsel vm2, v63, v15;
	v17 =	vadd.f32 v17, v25  }
0x108: {  	[tilespmem:s17+$0x0] =	vst v14;
	v20 =	vnsel vm0, $0x0, v20;
	v16 =	vadd.f32 v62, v18  }
0x109: {  	[tilespmem:s18+$0xFFFFFF00] =	vst v20;
	v17 =	vnsel vm1, $0x0, v17  }
0x10a: {  	[tilespmem:s18+$0xFFFFFF80] =	vst v17;
	v15 =	vnsel vm2, $0x0, v16  }
0x10b: {  	s30 =	sadd.s32 s5, s16;
	[tilespmem:s18+$0x0] =	vst v15  }
0x10c: {  	[hbm4b:s30+s2] =	stream.linear.scatter [tilespmem:s12], [sflag:$0x1], $0x8000, $0x38;
	[tilespmem:$0x18300] =	vst v63  }
0x10d: {  	s15 =	sadd.s32 $0x1, s15;
	_ =	swait.ge [sflag:s11], $0x8000  }
0x10e: {  	p0 =	sne.s32 s15, $0x20;
	[sflag:s11] =	ssyncset.done $0x0  }
.Ltmp1:
0x10f: {  	s31 =	sadd.s32 s6, s16;
	[sflag:s11] =	ssyncadd.s32 $0xFFFF8000;
	(pc) =	sbr.rel @p0 .LBB2_2-.Ltmp1, $4  }
0x110: {  	[hbm4b:s31+s2] =	stream.linear.scatter [tilespmem:s13], [sflag:$0x1], $0x8000, $0x38;
	[tilespmem:$0x18300] =	vst v63  }
0x111: {  	_ =	swait.ge [sflag:s11], $0x8000  }
0x112: {  	[sflag:s11] =	ssyncset.done $0x0  }
0x113: {  	[sflag:s11] =	ssyncadd.s32 $0xFFFF8000  }
0x114: {  	s14 =	sadd.s32 $0x1, s14  }
0x115: {  	p0 =	sne.s32 s14, s8  }
.Ltmp2:
0x116: {  	_ = 	snop;
	(pc) =	sbr.rel @p0 .LBB2_1-.Ltmp2, $1  }
0x117: {  	_ =	sdelay $0x3  }
0x118: {  	_ =	sfence.sel $0x180000  }
0x119: {  	[bflag:$0x0] =	sbarrier.arrive $0xFFFF  }
0x11a: {  	p0 =	sne.s32 s3, $0x0;
	_ =	strace $0x90000047  }
0x11b: {  	s0 =	sadd.s32 @!p0 $0x100000, s0;
	[bflag:$0x2] =	sbarrier.arrive $0xFFFF  }
0x11c: {  	[sflag:s0] =	ssyncadd.tile.s32 @!p0 $0x1;
	_ =	shalt  }
.Lfunc_end2:
_tile_overlayer_lowered:
.L_overlay_start_2:
0x11d: {  	(tag) =	ssettag $0x2  }
0x11e: {  	s0 =	rddreg [dreg:$0x0];
	s2 =	stileid.u32  }
0x11f: {  	s1 =	rddreg [dreg:$0x1];
	p0 =	sne.s32 s2, $0x0  }
0x120: {  	s3 =	rddreg [dreg:$0x2];
	[bflag:$0x3] =	sbarrier.arrive $0xFFFF;
	s2 =	simm.s32 @!p0 $0x1C02  }
0x121: {  	[timem:s3], [sflag:s2] =	dma.local @!p0 [hbm:s0], s1  }
0x122: {  	s0 =	simm.s32 @!p0 $0x2  }
0x123: {  	_ =	swait.ge @!p0 [sflag:s0], s1  }
0x124: {  	s1 =	ssub.s32 @!p0 $0x0, s1;
	[sflag:s0] =	ssyncset.done @!p0 $0x0  }
0x125: {  	[sflag:s0] =	ssyncadd.s32 @!p0 s1  }
0x126: {  	[bflag:$0x3] =	sbarrier.arrive $0xFFFF  }
0x127: {  	_ =	shalt  }

</sc_bundles>
